<compile_context>
chip_gen: v7x
topology: tpu7x:2x2x1
jax: 0.10.2.dev20260603
libtpu: 0.0.44.dev20260713+nightly
codegen_flags: <defaults>
</compile_context>

<pallas_src>
import functools

import jax
import jax.numpy as jnp
from jax import lax
from jax.experimental import pallas as pl
from jax.experimental.pallas import tpu as pltpu
from jax.experimental.pallas import tpu_sc as plsc

N, D, H, O, T = 4096, 1024, 1024, 256, 16
BM = 128
NB = N // BM + T
PADN = NB * BM

_F32 = jnp.float32



def _trunk_body(x_ref, w0, b0, w1, b1, w2, b2, o_ref):
    h = jnp.tanh(jnp.dot(x_ref[...], w0[...], preferred_element_type=_F32) + b0[...])
    h = jnp.tanh(jnp.dot(h, w1[...], preferred_element_type=_F32) + b1[...])
    o_ref[...] = jnp.tanh(jnp.dot(h, w2[...], preferred_element_type=_F32) + b2[...])


def _trunk(x, W0, b0, W1, b1, W2, b2):
    bm = 512
    wspec = pl.BlockSpec((D, H), lambda i: (0, 0))
    bspec = pl.BlockSpec((1, H), lambda i: (0, 0))
    return pl.pallas_call(
        _trunk_body,
        grid=(N // bm,),
        in_specs=[pl.BlockSpec((bm, D), lambda i: (i, 0)),
                  wspec, bspec, wspec, bspec, wspec, bspec],
        out_specs=pl.BlockSpec((bm, H), lambda i: (i, 0)),
        out_shape=jax.ShapeDtypeStruct((N, H), _F32),
    )(x, W0, b0.reshape(1, H), W1, b1.reshape(1, H), W2, b2.reshape(1, H))



def _sc_gather(table, idx, chunk, nbuf=1):
    V, rest, dt = table.shape[0], table.shape[1:], table.dtype
    B = idx.shape[0]
    info = plsc.get_sparse_core_info()
    NC, NS = info.num_cores, info.num_subcores
    NW = NC * NS
    b_per_w = B // NW
    assert b_per_w % chunk == 0 and chunk <= 128
    n_chunks = b_per_w // chunk
    nbuf = min(nbuf, n_chunks)
    mesh = plsc.VectorSubcoreMesh(core_axis_name="c", subcore_axis_name="s")
    idx3 = idx.reshape(NW, n_chunks, chunk)

    @functools.partial(
        pl.kernel, mesh=mesh,
        out_type=jax.ShapeDtypeStruct((B,) + rest, dt),
        scratch_types=(
            [pltpu.VMEM((n_chunks, chunk), jnp.int32)]
            + [pltpu.VMEM((chunk,) + rest, dt) for _ in range(nbuf)]
            + [pltpu.SemaphoreType.DMA for _ in range(2 * nbuf)]
        ),
    )
    def k(table_hbm, idx_hbm, out_hbm, idx_v, *scratch):
        bufs = scratch[:nbuf]
        gsem = scratch[nbuf:2 * nbuf]
        wsem = scratch[2 * nbuf:]
        wid = lax.axis_index("s") * NC + lax.axis_index("c")
        base = wid * b_per_w
        pltpu.sync_copy(idx_hbm.at[wid], idx_v)

        def gather_copy(g):
            b = g % nbuf
            return pltpu.make_async_copy(
                table_hbm.at[idx_v.at[g]], bufs[b], gsem[b])

        def write_copy(c):
            b = c % nbuf
            return pltpu.make_async_copy(
                bufs[b], out_hbm.at[pl.ds(base + c * chunk, chunk)], wsem[b])

        for g in range(nbuf - 1):
            gather_copy(g).start()
        for c in range(n_chunks):
            g = c + nbuf - 1
            if g < n_chunks:
                if g >= nbuf:
                    write_copy(g - nbuf).wait()
                gather_copy(g).start()
            gather_copy(c).wait()
            write_copy(c).start()
        for c in range(max(0, n_chunks - nbuf), n_chunks):
            write_copy(c).wait()

    return k(table, idx3)



NSLOT = 3


def _heads_body(meta, x_ref, hw1_any, hb1, hw2_any, hb2, o_ref,
                w1buf, w2buf, sem1, sem2):
    i = pl.program_id(0)
    bt, newt, sl = meta[0, i], meta[1, i], meta[2, i]
    pft, psl, nxt = meta[3, i], meta[4, i], meta[5, i]

    def w1_copy(task, slot):
        return pltpu.make_async_copy(hw1_any.at[task], w1buf.at[slot],
                                     sem1.at[slot])

    def w2_copy(task, slot):
        return pltpu.make_async_copy(hw2_any.at[task], w2buf.at[slot],
                                     sem2.at[slot])

    @pl.when(i == 0)
    def _bootstrap():
        w1_copy(bt, 0).start()
        w2_copy(bt, 0).start()

        @pl.when(nxt >= 0)
        def _():
            w1_copy(nxt, 1).start()
            w2_copy(nxt, 1).start()

    @pl.when(newt == 1)
    def _advance():
        @pl.when(pft >= 0)
        def _():
            w1_copy(pft, psl).start()
            w2_copy(pft, psl).start()
        w1_copy(bt, sl).wait()
        w2_copy(bt, sl).wait()

    x = x_ref[...]
    h = jnp.tanh(jnp.dot(x, w1buf[sl], preferred_element_type=_F32) + hb1[0])
    o_ref[...] = jnp.dot(h, w2buf[sl], preferred_element_type=_F32) + hb2[0]


def _heads(block_task, hs, HW1, Hb1, HW2, Hb2):
    nb = hs.shape[0] // BM
    bt = block_task
    idxs = jnp.arange(nb, dtype=jnp.int32)
    newt = jnp.concatenate([jnp.ones((1,), jnp.int32),
                            (bt[1:] != bt[:-1]).astype(jnp.int32)])
    k = jnp.cumsum(newt) - 1
    sl = (k % NSLOT).astype(jnp.int32)
    psl = ((k + NSLOT - 1) % NSLOT).astype(jnp.int32)
    cand = jnp.where(newt == 1, idxs, 2 * nb)
    ns_incl = jax.lax.cummin(cand, reverse=True)
    ns1 = jnp.concatenate([ns_incl[1:], jnp.full((1,), 2 * nb, jnp.int32)])
    ns2 = jnp.where(ns1 < nb, ns_incl[jnp.clip(ns1 + 1, 0, nb - 1)], 2 * nb)
    nxt = jnp.where(ns1 < nb, bt[jnp.clip(ns1, 0, nb - 1)], -1)
    pft = jnp.where(ns2 < nb, bt[jnp.clip(ns2, 0, nb - 1)], -1)
    meta = jnp.stack([bt, newt, sl, pft, psl, nxt]).astype(jnp.int32)

    grid_spec = pltpu.PrefetchScalarGridSpec(
        num_scalar_prefetch=1,
        grid=(nb,),
        in_specs=[
            pl.BlockSpec((BM, H), lambda i, m: (i, 0)),
            pl.BlockSpec(memory_space=pl.ANY),
            pl.BlockSpec((1, 1, H), lambda i, m: (m[0, i], 0, 0)),
            pl.BlockSpec(memory_space=pl.ANY),
            pl.BlockSpec((1, 1, O), lambda i, m: (m[0, i], 0, 0)),
        ],
        out_specs=pl.BlockSpec((BM, O), lambda i, m: (i, 0)),
        scratch_shapes=[
            pltpu.VMEM((NSLOT, H, H), _F32),
            pltpu.VMEM((NSLOT, H, O), _F32),
            pltpu.SemaphoreType.DMA((NSLOT,)),
            pltpu.SemaphoreType.DMA((NSLOT,)),
        ],
    )
    return pl.pallas_call(
        _heads_body,
        grid_spec=grid_spec,
        out_shape=jax.ShapeDtypeStruct((hs.shape[0], O), _F32),
    )(meta, hs, HW1, Hb1.reshape(T, 1, H), HW2, Hb2.reshape(T, 1, O))



def _routing(task_indices):
    t = task_indices.astype(jnp.int32)
    oh = (t[:, None] == jnp.arange(T, dtype=jnp.int32)[None, :]).astype(jnp.int32)
    incl = jnp.cumsum(oh, axis=0)
    rank = jnp.take_along_axis(incl, t[:, None], axis=1)[:, 0] - 1
    counts = incl[-1]
    padded = ((counts + BM - 1) // BM) * BM
    poff = jnp.concatenate([jnp.zeros((1,), jnp.int32),
                            jnp.cumsum(padded)]).astype(jnp.int32)
    slot = poff[t] + rank
    src = (jnp.arange(PADN, dtype=jnp.int32) % N).at[slot].set(
        jnp.arange(N, dtype=jnp.int32),
        unique_indices=True)

    starts = jnp.arange(NB, dtype=jnp.int32) * BM
    block_task = jnp.clip(
        (starts[:, None] >= poff[None, 1:]).sum(axis=1), 0, T - 1
    ).astype(jnp.int32)
    return slot, src, block_task



def kernel(inputs, task_indices, W0, b0, W1, b1, W2, b2, HW1, Hb1, HW2, Hb2):
    h = _trunk(inputs, W0, b0, W1, b1, W2, b2)
    slot, src, block_task = _routing(task_indices)
    hs = _sc_gather(h, src, chunk=48, nbuf=2)
    ys = _heads(block_task, hs, HW1, Hb1, HW2, Hb2)
    return _sc_gather(ys, slot, chunk=128)

# --- scband reference (transcript-rebuilt; emitter-appended) ---
"""Pipeline reference for scband-multi-task-trunk-network-61177514164384 (READ-ONLY COPY).

The authoritative reference and input builder live on the scoring server;
editing this copy changes nothing except your own understanding.
"""

import jax, jax.numpy as jnp
import numpy as np

N, D, H, O, T = 4096, 1024, 1024, 256, 16


def setup_inputs(seed: int = 0) -> dict:
    key = jax.random.key(seed)
    ks = jax.random.split(key, 12)
    s = 0.02
    return {
        "inputs": jax.random.normal(ks[0], (N, D), dtype=jnp.float32),
        "task_indices": jax.random.randint(ks[1], (N,), 0, T, dtype=jnp.int64 if jax.config.jax_enable_x64 else jnp.int32),
        "W0": jax.random.normal(ks[2], (D, H), dtype=jnp.float32) * s,
        "b0": jnp.zeros((H,), dtype=jnp.float32),
        "W1": jax.random.normal(ks[3], (H, H), dtype=jnp.float32) * s,
        "b1": jnp.zeros((H,), dtype=jnp.float32),
        "W2": jax.random.normal(ks[4], (H, H), dtype=jnp.float32) * s,
        "b2": jnp.zeros((H,), dtype=jnp.float32),
        "HW1": jax.random.normal(ks[5], (T, H, H), dtype=jnp.float32) * s,
        "Hb1": jnp.zeros((T, H), dtype=jnp.float32),
        "HW2": jax.random.normal(ks[6], (T, H, O), dtype=jnp.float32) * s,
        "Hb2": jnp.zeros((T, O), dtype=jnp.float32),
    }


def reference(inputs, task_indices, W0, b0, W1, b1, W2, b2, HW1, Hb1, HW2, Hb2):
    # Shared trunk: 3 x (Linear -> Tanh)
    h = jnp.tanh(inputs @ W0 + b0)
    h = jnp.tanh(h @ W1 + b1)
    h = jnp.tanh(h @ W2 + b2)
    # Route each token to its task-specific head (2 layers: Linear+Tanh, Linear)
    out = jnp.zeros((inputs.shape[0], O), dtype=h.dtype)
    for t in range(HW1.shape[0]):
        mask = (task_indices == t)[:, None]
        x = jnp.tanh(h @ HW1[t] + Hb1[t])
        y = x @ HW2[t] + Hb2[t]
        out = jnp.where(mask, y, out)
    return out

if __name__ == "__main__":
    import jax
    _d = setup_inputs()
    print(jax.jit(kernel)(*tuple(_d.values())))

</pallas_src>

<mosaic_0001>
#map = affine_map<(d0, d1) -> (0, 0)>
#map1 = affine_map<(d0, d1) -> (0, 0, 0)>
module attributes {stable_mosaic.version = 14 : i64} {
  func.func @k(%arg0: i32, %arg1: i32, %arg2: memref<4096x1024xf32, #tpu.memory_space<hbm>>, %arg3: memref<32x4x48xi32, #tpu.memory_space<hbm>>, %arg4: memref<6144x1024xf32, #tpu.memory_space<hbm>>, %arg5: memref<4x48xi32, #tpu.memory_space<vmem>>, %arg6: memref<48x1024xf32, #tpu.memory_space<vmem>>, %arg7: memref<48x1024xf32, #tpu.memory_space<vmem>>, %arg8: memref<!tpu.dma_semaphore, #tpu.memory_space<semaphore_mem>>, %arg9: memref<!tpu.dma_semaphore, #tpu.memory_space<semaphore_mem>>, %arg10: memref<!tpu.dma_semaphore, #tpu.memory_space<semaphore_mem>>, %arg11: memref<!tpu.dma_semaphore, #tpu.memory_space<semaphore_mem>>) attributes {dimension_semantics = [#tpu.dimension_semantics<core_parallel>, #tpu.dimension_semantics<subcore_parallel>], iteration_bounds = array<i64: 2, 16>, scalar_prefetch = 0 : i64, scratch_operands = 7 : i64, tpu.core_type = #tpu.core_type<sc_vector_subcore>, window_params = [{transform_indices = #map}, {transform_indices = #map1}, {transform_indices = #map}]} {
    %mul3A = arith.constant 2 : i32
    %mul3A_0 = arith.muli %arg1, %mul3A : i32
    %add3A = arith.addi %mul3A_0, %arg0 : i32
    %mul3A_1 = arith.constant 192 : i32
    %mul3A_2 = arith.muli %add3A, %mul3A_1 : i32
    "tpu.region"() ({
      %run_scoped3A = tpu.sem_alloc : memref<!tpu.dma_semaphore, #tpu.memory_space<semaphore_mem>>
      %dma_start3A_105 = arith.constant 0 : i32
      %dma_start3A_106 = arith.constant 0 : i32
      %dma_start3A_107 = tpu.memref_slice %arg3[%add3A, %dma_start3A_105, %dma_start3A_106] : memref<32x4x48xi32, #tpu.memory_space<hbm>> -> memref<1x4x48xi32, #tpu.memory_space<hbm>>
      %dma_start3A_108 = tpu.memref_squeeze %dma_start3A_107 : memref<1x4x48xi32, #tpu.memory_space<hbm>> -> memref<4x48xi32, #tpu.memory_space<hbm>>
      %dma_start3A_109 = arith.constant 0 : i32
      %dma_start3A_110 = arith.constant 0 : i32
      %dma_start3A_111 = tpu.memref_slice %arg3[%add3A, %dma_start3A_109, %dma_start3A_110] : memref<32x4x48xi32, #tpu.memory_space<hbm>> -> memref<1x4x48xi32, #tpu.memory_space<hbm>>
      %dma_start3A_112 = tpu.memref_squeeze %dma_start3A_111 : memref<1x4x48xi32, #tpu.memory_space<hbm>> -> memref<4x48xi32, #tpu.memory_space<hbm>>
      tpu.enqueue_dma source(%dma_start3A_112 : memref<4x48xi32, #tpu.memory_space<hbm>>) target(%arg5 : memref<4x48xi32, #tpu.memory_space<vmem>>) target_semaphore(%run_scoped3A : memref<!tpu.dma_semaphore, #tpu.memory_space<semaphore_mem>>)
      %dma_wait3A_113 = arith.constant 0 : i32
      %dma_wait3A_114 = arith.constant 0 : i32
      %dma_wait3A_115 = tpu.memref_slice %arg3[%add3A, %dma_wait3A_113, %dma_wait3A_114] : memref<32x4x48xi32, #tpu.memory_space<hbm>> -> memref<1x4x48xi32, #tpu.memory_space<hbm>>
      %dma_wait3A_116 = tpu.memref_squeeze %dma_wait3A_115 : memref<1x4x48xi32, #tpu.memory_space<hbm>> -> memref<4x48xi32, #tpu.memory_space<hbm>>
      %dma_wait3A_117 = arith.constant 0 : i32
      %dma_wait3A_118 = arith.constant 0 : i32
      %dma_wait3A_119 = tpu.memref_slice %arg3[%add3A, %dma_wait3A_117, %dma_wait3A_118] : memref<32x4x48xi32, #tpu.memory_space<hbm>> -> memref<1x4x48xi32, #tpu.memory_space<hbm>>
      %dma_wait3A_120 = tpu.memref_squeeze %dma_wait3A_119 : memref<1x4x48xi32, #tpu.memory_space<hbm>> -> memref<4x48xi32, #tpu.memory_space<hbm>>
      tpu.wait_dma2 semaphore(%run_scoped3A : memref<!tpu.dma_semaphore, #tpu.memory_space<semaphore_mem>>) src(%dma_wait3A_120 : memref<4x48xi32, #tpu.memory_space<hbm>>) dst(%arg5 : memref<4x48xi32, #tpu.memory_space<vmem>>)
      tpu.yield
    }) : () -> ()
    %dma_start3A = arith.constant 0 : i32
    %dma_start3A_3 = arith.constant 0 : i32
    %dma_start3A_4 = tpu.memref_slice %arg5[%dma_start3A, %dma_start3A_3] : memref<4x48xi32, #tpu.memory_space<vmem>> -> memref<1x48xi32, #tpu.memory_space<vmem>>
    %dma_start3A_5 = tpu.memref_squeeze %dma_start3A_4 : memref<1x48xi32, #tpu.memory_space<vmem>> -> memref<48xi32, #tpu.memory_space<vmem>>
    %dma_start3A_6 = arith.constant 0 : i32
    %dma_start3A_7 = arith.constant 0 : i32
    %dma_start3A_8 = tpu.memref_slice %arg2[%dma_start3A_6, %dma_start3A_7] : memref<4096x1024xf32, #tpu.memory_space<hbm>> -> memref<4096x1024xf32, #tpu.memory_space<hbm>>
    tpu.enqueue_indirect_dma source(%dma_start3A_8 : memref<4096x1024xf32, #tpu.memory_space<hbm>>) target(%arg6 : memref<48x1024xf32, #tpu.memory_space<vmem>>) offsets(%dma_start3A_5 : memref<48xi32, #tpu.memory_space<vmem>>) semaphore(%arg8 : memref<!tpu.dma_semaphore, #tpu.memory_space<semaphore_mem>>)
    %dma_start3A_9 = arith.constant 1 : i32
    %dma_start3A_10 = arith.constant 0 : i32
    %dma_start3A_11 = tpu.memref_slice %arg5[%dma_start3A_9, %dma_start3A_10] : memref<4x48xi32, #tpu.memory_space<vmem>> -> memref<1x48xi32, #tpu.memory_space<vmem>>
    %dma_start3A_12 = tpu.memref_squeeze %dma_start3A_11 : memref<1x48xi32, #tpu.memory_space<vmem>> -> memref<48xi32, #tpu.memory_space<vmem>>
    %dma_start3A_13 = arith.constant 0 : i32
    %dma_start3A_14 = arith.constant 0 : i32
    %dma_start3A_15 = tpu.memref_slice %arg2[%dma_start3A_13, %dma_start3A_14] : memref<4096x1024xf32, #tpu.memory_space<hbm>> -> memref<4096x1024xf32, #tpu.memory_space<hbm>>
    tpu.enqueue_indirect_dma source(%dma_start3A_15 : memref<4096x1024xf32, #tpu.memory_space<hbm>>) target(%arg7 : memref<48x1024xf32, #tpu.memory_space<vmem>>) offsets(%dma_start3A_12 : memref<48xi32, #tpu.memory_space<vmem>>) semaphore(%arg9 : memref<!tpu.dma_semaphore, #tpu.memory_space<semaphore_mem>>)
    %dma_wait3A = arith.constant 0 : i32
    %dma_wait3A_16 = arith.constant 0 : i32
    %dma_wait3A_17 = tpu.memref_slice %arg5[%dma_wait3A, %dma_wait3A_16] : memref<4x48xi32, #tpu.memory_space<vmem>> -> memref<1x48xi32, #tpu.memory_space<vmem>>
    %dma_wait3A_18 = tpu.memref_squeeze %dma_wait3A_17 : memref<1x48xi32, #tpu.memory_space<vmem>> -> memref<48xi32, #tpu.memory_space<vmem>>
    %dma_wait3A_19 = arith.constant 0 : i32
    %dma_wait3A_20 = arith.constant 0 : i32
    %dma_wait3A_21 = tpu.memref_slice %arg2[%dma_wait3A_19, %dma_wait3A_20] : memref<4096x1024xf32, #tpu.memory_space<hbm>> -> memref<4096x1024xf32, #tpu.memory_space<hbm>>
    tpu.wait_indirect_dma semaphore(%arg8 : memref<!tpu.dma_semaphore, #tpu.memory_space<semaphore_mem>>) src(%dma_wait3A_21 : memref<4096x1024xf32, #tpu.memory_space<hbm>>) dst(%arg6 : memref<48x1024xf32, #tpu.memory_space<vmem>>)
    %add3A_22 = arith.constant 0 : i32
    %add3A_23 = arith.addi %mul3A_2, %add3A_22 : i32
    %dma_start3A_24 = arith.constant 0 : i32
    %dma_start3A_25 = tpu.memref_slice %arg4[%add3A_23, %dma_start3A_24] : memref<6144x1024xf32, #tpu.memory_space<hbm>> -> memref<48x1024xf32, #tpu.memory_space<hbm>>
    %dma_start3A_26 = arith.constant 0 : i32
    %dma_start3A_27 = tpu.memref_slice %arg4[%add3A_23, %dma_start3A_26] : memref<6144x1024xf32, #tpu.memory_space<hbm>> -> memref<48x1024xf32, #tpu.memory_space<hbm>>
    tpu.enqueue_dma source(%arg6 : memref<48x1024xf32, #tpu.memory_space<vmem>>) target(%dma_start3A_27 : memref<48x1024xf32, #tpu.memory_space<hbm>>) target_semaphore(%arg10 : memref<!tpu.dma_semaphore, #tpu.memory_space<semaphore_mem>>)
    %add3A_28 = arith.constant 0 : i32
    %add3A_29 = arith.addi %mul3A_2, %add3A_28 : i32
    %dma_wait3A_30 = arith.constant 0 : i32
    %dma_wait3A_31 = tpu.memref_slice %arg4[%add3A_29, %dma_wait3A_30] : memref<6144x1024xf32, #tpu.memory_space<hbm>> -> memref<48x1024xf32, #tpu.memory_space<hbm>>
    %dma_wait3A_32 = arith.constant 0 : i32
    %dma_wait3A_33 = tpu.memref_slice %arg4[%add3A_29, %dma_wait3A_32] : memref<6144x1024xf32, #tpu.memory_space<hbm>> -> memref<48x1024xf32, #tpu.memory_space<hbm>>
    tpu.wait_dma2 semaphore(%arg10 : memref<!tpu.dma_semaphore, #tpu.memory_space<semaphore_mem>>) src(%arg6 : memref<48x1024xf32, #tpu.memory_space<vmem>>) dst(%dma_wait3A_33 : memref<48x1024xf32, #tpu.memory_space<hbm>>)
    %dma_start3A_34 = arith.constant 2 : i32
    %dma_start3A_35 = arith.constant 0 : i32
    %dma_start3A_36 = tpu.memref_slice %arg5[%dma_start3A_34, %dma_start3A_35] : memref<4x48xi32, #tpu.memory_space<vmem>> -> memref<1x48xi32, #tpu.memory_space<vmem>>
    %dma_start3A_37 = tpu.memref_squeeze %dma_start3A_36 : memref<1x48xi32, #tpu.memory_space<vmem>> -> memref<48xi32, #tpu.memory_space<vmem>>
    %dma_start3A_38 = arith.constant 0 : i32
    %dma_start3A_39 = arith.constant 0 : i32
    %dma_start3A_40 = tpu.memref_slice %arg2[%dma_start3A_38, %dma_start3A_39] : memref<4096x1024xf32, #tpu.memory_space<hbm>> -> memref<4096x1024xf32, #tpu.memory_space<hbm>>
    tpu.enqueue_indirect_dma source(%dma_start3A_40 : memref<4096x1024xf32, #tpu.memory_space<hbm>>) target(%arg6 : memref<48x1024xf32, #tpu.memory_space<vmem>>) offsets(%dma_start3A_37 : memref<48xi32, #tpu.memory_space<vmem>>) semaphore(%arg8 : memref<!tpu.dma_semaphore, #tpu.memory_space<semaphore_mem>>)
    %dma_wait3A_41 = arith.constant 1 : i32
    %dma_wait3A_42 = arith.constant 0 : i32
    %dma_wait3A_43 = tpu.memref_slice %arg5[%dma_wait3A_41, %dma_wait3A_42] : memref<4x48xi32, #tpu.memory_space<vmem>> -> memref<1x48xi32, #tpu.memory_space<vmem>>
    %dma_wait3A_44 = tpu.memref_squeeze %dma_wait3A_43 : memref<1x48xi32, #tpu.memory_space<vmem>> -> memref<48xi32, #tpu.memory_space<vmem>>
    %dma_wait3A_45 = arith.constant 0 : i32
    %dma_wait3A_46 = arith.constant 0 : i32
    %dma_wait3A_47 = tpu.memref_slice %arg2[%dma_wait3A_45, %dma_wait3A_46] : memref<4096x1024xf32, #tpu.memory_space<hbm>> -> memref<4096x1024xf32, #tpu.memory_space<hbm>>
    tpu.wait_indirect_dma semaphore(%arg9 : memref<!tpu.dma_semaphore, #tpu.memory_space<semaphore_mem>>) src(%dma_wait3A_47 : memref<4096x1024xf32, #tpu.memory_space<hbm>>) dst(%arg7 : memref<48x1024xf32, #tpu.memory_space<vmem>>)
    %add3A_48 = arith.constant 48 : i32
    %add3A_49 = arith.addi %mul3A_2, %add3A_48 : i32
    %dma_start3A_50 = arith.constant 0 : i32
    %dma_start3A_51 = tpu.memref_slice %arg4[%add3A_49, %dma_start3A_50] : memref<6144x1024xf32, #tpu.memory_space<hbm>> -> memref<48x1024xf32, #tpu.memory_space<hbm>>
    %dma_start3A_52 = arith.constant 0 : i32
    %dma_start3A_53 = tpu.memref_slice %arg4[%add3A_49, %dma_start3A_52] : memref<6144x1024xf32, #tpu.memory_space<hbm>> -> memref<48x1024xf32, #tpu.memory_space<hbm>>
    tpu.enqueue_dma source(%arg7 : memref<48x1024xf32, #tpu.memory_space<vmem>>) target(%dma_start3A_53 : memref<48x1024xf32, #tpu.memory_space<hbm>>) target_semaphore(%arg11 : memref<!tpu.dma_semaphore, #tpu.memory_space<semaphore_mem>>)
    %add3A_54 = arith.constant 48 : i32
    %add3A_55 = arith.addi %mul3A_2, %add3A_54 : i32
    %dma_wait3A_56 = arith.constant 0 : i32
    %dma_wait3A_57 = tpu.memref_slice %arg4[%add3A_55, %dma_wait3A_56] : memref<6144x1024xf32, #tpu.memory_space<hbm>> -> memref<48x1024xf32, #tpu.memory_space<hbm>>
    %dma_wait3A_58 = arith.constant 0 : i32
    %dma_wait3A_59 = tpu.memref_slice %arg4[%add3A_55, %dma_wait3A_58] : memref<6144x1024xf32, #tpu.memory_space<hbm>> -> memref<48x1024xf32, #tpu.memory_space<hbm>>
    tpu.wait_dma2 semaphore(%arg11 : memref<!tpu.dma_semaphore, #tpu.memory_space<semaphore_mem>>) src(%arg7 : memref<48x1024xf32, #tpu.memory_space<vmem>>) dst(%dma_wait3A_59 : memref<48x1024xf32, #tpu.memory_space<hbm>>)
    %dma_start3A_60 = arith.constant 3 : i32
    %dma_start3A_61 = arith.constant 0 : i32
    %dma_start3A_62 = tpu.memref_slice %arg5[%dma_start3A_60, %dma_start3A_61] : memref<4x48xi32, #tpu.memory_space<vmem>> -> memref<1x48xi32, #tpu.memory_space<vmem>>
    %dma_start3A_63 = tpu.memref_squeeze %dma_start3A_62 : memref<1x48xi32, #tpu.memory_space<vmem>> -> memref<48xi32, #tpu.memory_space<vmem>>
    %dma_start3A_64 = arith.constant 0 : i32
    %dma_start3A_65 = arith.constant 0 : i32
    %dma_start3A_66 = tpu.memref_slice %arg2[%dma_start3A_64, %dma_start3A_65] : memref<4096x1024xf32, #tpu.memory_space<hbm>> -> memref<4096x1024xf32, #tpu.memory_space<hbm>>
    tpu.enqueue_indirect_dma source(%dma_start3A_66 : memref<4096x1024xf32, #tpu.memory_space<hbm>>) target(%arg7 : memref<48x1024xf32, #tpu.memory_space<vmem>>) offsets(%dma_start3A_63 : memref<48xi32, #tpu.memory_space<vmem>>) semaphore(%arg9 : memref<!tpu.dma_semaphore, #tpu.memory_space<semaphore_mem>>)
    %dma_wait3A_67 = arith.constant 2 : i32
    %dma_wait3A_68 = arith.constant 0 : i32
    %dma_wait3A_69 = tpu.memref_slice %arg5[%dma_wait3A_67, %dma_wait3A_68] : memref<4x48xi32, #tpu.memory_space<vmem>> -> memref<1x48xi32, #tpu.memory_space<vmem>>
    %dma_wait3A_70 = tpu.memref_squeeze %dma_wait3A_69 : memref<1x48xi32, #tpu.memory_space<vmem>> -> memref<48xi32, #tpu.memory_space<vmem>>
    %dma_wait3A_71 = arith.constant 0 : i32
    %dma_wait3A_72 = arith.constant 0 : i32
    %dma_wait3A_73 = tpu.memref_slice %arg2[%dma_wait3A_71, %dma_wait3A_72] : memref<4096x1024xf32, #tpu.memory_space<hbm>> -> memref<4096x1024xf32, #tpu.memory_space<hbm>>
    tpu.wait_indirect_dma semaphore(%arg8 : memref<!tpu.dma_semaphore, #tpu.memory_space<semaphore_mem>>) src(%dma_wait3A_73 : memref<4096x1024xf32, #tpu.memory_space<hbm>>) dst(%arg6 : memref<48x1024xf32, #tpu.memory_space<vmem>>)
    %add3A_74 = arith.constant 96 : i32
    %add3A_75 = arith.addi %mul3A_2, %add3A_74 : i32
    %dma_start3A_76 = arith.constant 0 : i32
    %dma_start3A_77 = tpu.memref_slice %arg4[%add3A_75, %dma_start3A_76] : memref<6144x1024xf32, #tpu.memory_space<hbm>> -> memref<48x1024xf32, #tpu.memory_space<hbm>>
    %dma_start3A_78 = arith.constant 0 : i32
    %dma_start3A_79 = tpu.memref_slice %arg4[%add3A_75, %dma_start3A_78] : memref<6144x1024xf32, #tpu.memory_space<hbm>> -> memref<48x1024xf32, #tpu.memory_space<hbm>>
    tpu.enqueue_dma source(%arg6 : memref<48x1024xf32, #tpu.memory_space<vmem>>) target(%dma_start3A_79 : memref<48x1024xf32, #tpu.memory_space<hbm>>) target_semaphore(%arg10 : memref<!tpu.dma_semaphore, #tpu.memory_space<semaphore_mem>>)
    %dma_wait3A_80 = arith.constant 3 : i32
    %dma_wait3A_81 = arith.constant 0 : i32
    %dma_wait3A_82 = tpu.memref_slice %arg5[%dma_wait3A_80, %dma_wait3A_81] : memref<4x48xi32, #tpu.memory_space<vmem>> -> memref<1x48xi32, #tpu.memory_space<vmem>>
    %dma_wait3A_83 = tpu.memref_squeeze %dma_wait3A_82 : memref<1x48xi32, #tpu.memory_space<vmem>> -> memref<48xi32, #tpu.memory_space<vmem>>
    %dma_wait3A_84 = arith.constant 0 : i32
    %dma_wait3A_85 = arith.constant 0 : i32
    %dma_wait3A_86 = tpu.memref_slice %arg2[%dma_wait3A_84, %dma_wait3A_85] : memref<4096x1024xf32, #tpu.memory_space<hbm>> -> memref<4096x1024xf32, #tpu.memory_space<hbm>>
    tpu.wait_indirect_dma semaphore(%arg9 : memref<!tpu.dma_semaphore, #tpu.memory_space<semaphore_mem>>) src(%dma_wait3A_86 : memref<4096x1024xf32, #tpu.memory_space<hbm>>) dst(%arg7 : memref<48x1024xf32, #tpu.memory_space<vmem>>)
    %add3A_87 = arith.constant 144 : i32
    %add3A_88 = arith.addi %mul3A_2, %add3A_87 : i32
    %dma_start3A_89 = arith.constant 0 : i32
    %dma_start3A_90 = tpu.memref_slice %arg4[%add3A_88, %dma_start3A_89] : memref<6144x1024xf32, #tpu.memory_space<hbm>> -> memref<48x1024xf32, #tpu.memory_space<hbm>>
    %dma_start3A_91 = arith.constant 0 : i32
    %dma_start3A_92 = tpu.memref_slice %arg4[%add3A_88, %dma_start3A_91] : memref<6144x1024xf32, #tpu.memory_space<hbm>> -> memref<48x1024xf32, #tpu.memory_space<hbm>>
    tpu.enqueue_dma source(%arg7 : memref<48x1024xf32, #tpu.memory_space<vmem>>) target(%dma_start3A_92 : memref<48x1024xf32, #tpu.memory_space<hbm>>) target_semaphore(%arg11 : memref<!tpu.dma_semaphore, #tpu.memory_space<semaphore_mem>>)
    %add3A_93 = arith.constant 96 : i32
    %add3A_94 = arith.addi %mul3A_2, %add3A_93 : i32
    %dma_wait3A_95 = arith.constant 0 : i32
    %dma_wait3A_96 = tpu.memref_slice %arg4[%add3A_94, %dma_wait3A_95] : memref<6144x1024xf32, #tpu.memory_space<hbm>> -> memref<48x1024xf32, #tpu.memory_space<hbm>>
    %dma_wait3A_97 = arith.constant 0 : i32
    %dma_wait3A_98 = tpu.memref_slice %arg4[%add3A_94, %dma_wait3A_97] : memref<6144x1024xf32, #tpu.memory_space<hbm>> -> memref<48x1024xf32, #tpu.memory_space<hbm>>
    tpu.wait_dma2 semaphore(%arg10 : memref<!tpu.dma_semaphore, #tpu.memory_space<semaphore_mem>>) src(%arg6 : memref<48x1024xf32, #tpu.memory_space<vmem>>) dst(%dma_wait3A_98 : memref<48x1024xf32, #tpu.memory_space<hbm>>)
    %add3A_99 = arith.constant 144 : i32
    %add3A_100 = arith.addi %mul3A_2, %add3A_99 : i32
    %dma_wait3A_101 = arith.constant 0 : i32
    %dma_wait3A_102 = tpu.memref_slice %arg4[%add3A_100, %dma_wait3A_101] : memref<6144x1024xf32, #tpu.memory_space<hbm>> -> memref<48x1024xf32, #tpu.memory_space<hbm>>
    %dma_wait3A_103 = arith.constant 0 : i32
    %dma_wait3A_104 = tpu.memref_slice %arg4[%add3A_100, %dma_wait3A_103] : memref<6144x1024xf32, #tpu.memory_space<hbm>> -> memref<48x1024xf32, #tpu.memory_space<hbm>>
    tpu.wait_dma2 semaphore(%arg11 : memref<!tpu.dma_semaphore, #tpu.memory_space<semaphore_mem>>) src(%arg7 : memref<48x1024xf32, #tpu.memory_space<vmem>>) dst(%dma_wait3A_104 : memref<48x1024xf32, #tpu.memory_space<hbm>>)
    return
  }
}

#map = affine_map<(d0, d1) -> (0, 0)>
#map1 = affine_map<(d0, d1) -> (0, 0, 0)>
module attributes {stable_mosaic.version = 14 : i64} {
  func.func @k(%arg0: i32, %arg1: i32, %arg2: memref<6144x256xf32, #tpu.memory_space<hbm>>, %arg3: memref<32x1x128xi32, #tpu.memory_space<hbm>>, %arg4: memref<4096x256xf32, #tpu.memory_space<hbm>>, %arg5: memref<1x128xi32, #tpu.memory_space<vmem>>, %arg6: memref<128x256xf32, #tpu.memory_space<vmem>>, %arg7: memref<!tpu.dma_semaphore, #tpu.memory_space<semaphore_mem>>, %arg8: memref<!tpu.dma_semaphore, #tpu.memory_space<semaphore_mem>>) attributes {dimension_semantics = [#tpu.dimension_semantics<core_parallel>, #tpu.dimension_semantics<subcore_parallel>], iteration_bounds = array<i64: 2, 16>, scalar_prefetch = 0 : i64, scratch_operands = 4 : i64, tpu.core_type = #tpu.core_type<sc_vector_subcore>, window_params = [{transform_indices = #map}, {transform_indices = #map1}, {transform_indices = #map}]} {
    %mul3A = arith.constant 2 : i32
    %mul3A_0 = arith.muli %arg1, %mul3A : i32
    %add3A = arith.addi %mul3A_0, %arg0 : i32
    %mul3A_1 = arith.constant 128 : i32
    %mul3A_2 = arith.muli %add3A, %mul3A_1 : i32
    "tpu.region"() ({
      %run_scoped3A = tpu.sem_alloc : memref<!tpu.dma_semaphore, #tpu.memory_space<semaphore_mem>>
      %dma_start3A_27 = arith.constant 0 : i32
      %dma_start3A_28 = arith.constant 0 : i32
      %dma_start3A_29 = tpu.memref_slice %arg3[%add3A, %dma_start3A_27, %dma_start3A_28] : memref<32x1x128xi32, #tpu.memory_space<hbm>> -> memref<1x1x128xi32, #tpu.memory_space<hbm>>
      %dma_start3A_30 = tpu.memref_squeeze %dma_start3A_29 : memref<1x1x128xi32, #tpu.memory_space<hbm>> -> memref<1x128xi32, #tpu.memory_space<hbm>>
      %dma_start3A_31 = arith.constant 0 : i32
      %dma_start3A_32 = arith.constant 0 : i32
      %dma_start3A_33 = tpu.memref_slice %arg3[%add3A, %dma_start3A_31, %dma_start3A_32] : memref<32x1x128xi32, #tpu.memory_space<hbm>> -> memref<1x1x128xi32, #tpu.memory_space<hbm>>
      %dma_start3A_34 = tpu.memref_squeeze %dma_start3A_33 : memref<1x1x128xi32, #tpu.memory_space<hbm>> -> memref<1x128xi32, #tpu.memory_space<hbm>>
      tpu.enqueue_dma source(%dma_start3A_34 : memref<1x128xi32, #tpu.memory_space<hbm>>) target(%arg5 : memref<1x128xi32, #tpu.memory_space<vmem>>) target_semaphore(%run_scoped3A : memref<!tpu.dma_semaphore, #tpu.memory_space<semaphore_mem>>)
      %dma_wait3A_35 = arith.constant 0 : i32
      %dma_wait3A_36 = arith.constant 0 : i32
      %dma_wait3A_37 = tpu.memref_slice %arg3[%add3A, %dma_wait3A_35, %dma_wait3A_36] : memref<32x1x128xi32, #tpu.memory_space<hbm>> -> memref<1x1x128xi32, #tpu.memory_space<hbm>>
      %dma_wait3A_38 = tpu.memref_squeeze %dma_wait3A_37 : memref<1x1x128xi32, #tpu.memory_space<hbm>> -> memref<1x128xi32, #tpu.memory_space<hbm>>
      %dma_wait3A_39 = arith.constant 0 : i32
      %dma_wait3A_40 = arith.constant 0 : i32
      %dma_wait3A_41 = tpu.memref_slice %arg3[%add3A, %dma_wait3A_39, %dma_wait3A_40] : memref<32x1x128xi32, #tpu.memory_space<hbm>> -> memref<1x1x128xi32, #tpu.memory_space<hbm>>
      %dma_wait3A_42 = tpu.memref_squeeze %dma_wait3A_41 : memref<1x1x128xi32, #tpu.memory_space<hbm>> -> memref<1x128xi32, #tpu.memory_space<hbm>>
      tpu.wait_dma2 semaphore(%run_scoped3A : memref<!tpu.dma_semaphore, #tpu.memory_space<semaphore_mem>>) src(%dma_wait3A_42 : memref<1x128xi32, #tpu.memory_space<hbm>>) dst(%arg5 : memref<1x128xi32, #tpu.memory_space<vmem>>)
      tpu.yield
    }) : () -> ()
    %dma_start3A = arith.constant 0 : i32
    %dma_start3A_3 = arith.constant 0 : i32
    %dma_start3A_4 = tpu.memref_slice %arg5[%dma_start3A, %dma_start3A_3] : memref<1x128xi32, #tpu.memory_space<vmem>> -> memref<1x128xi32, #tpu.memory_space<vmem>>
    %dma_start3A_5 = tpu.memref_squeeze %dma_start3A_4 : memref<1x128xi32, #tpu.memory_space<vmem>> -> memref<128xi32, #tpu.memory_space<vmem>>
    %dma_start3A_6 = arith.constant 0 : i32
    %dma_start3A_7 = arith.constant 0 : i32
    %dma_start3A_8 = tpu.memref_slice %arg2[%dma_start3A_6, %dma_start3A_7] : memref<6144x256xf32, #tpu.memory_space<hbm>> -> memref<6144x256xf32, #tpu.memory_space<hbm>>
    tpu.enqueue_indirect_dma source(%dma_start3A_8 : memref<6144x256xf32, #tpu.memory_space<hbm>>) target(%arg6 : memref<128x256xf32, #tpu.memory_space<vmem>>) offsets(%dma_start3A_5 : memref<128xi32, #tpu.memory_space<vmem>>) semaphore(%arg7 : memref<!tpu.dma_semaphore, #tpu.memory_space<semaphore_mem>>)
    %dma_wait3A = arith.constant 0 : i32
    %dma_wait3A_9 = arith.constant 0 : i32
    %dma_wait3A_10 = tpu.memref_slice %arg5[%dma_wait3A, %dma_wait3A_9] : memref<1x128xi32, #tpu.memory_space<vmem>> -> memref<1x128xi32, #tpu.memory_space<vmem>>
    %dma_wait3A_11 = tpu.memref_squeeze %dma_wait3A_10 : memref<1x128xi32, #tpu.memory_space<vmem>> -> memref<128xi32, #tpu.memory_space<vmem>>
    %dma_wait3A_12 = arith.constant 0 : i32
    %dma_wait3A_13 = arith.constant 0 : i32
    %dma_wait3A_14 = tpu.memref_slice %arg2[%dma_wait3A_12, %dma_wait3A_13] : memref<6144x256xf32, #tpu.memory_space<hbm>> -> memref<6144x256xf32, #tpu.memory_space<hbm>>
    tpu.wait_indirect_dma semaphore(%arg7 : memref<!tpu.dma_semaphore, #tpu.memory_space<semaphore_mem>>) src(%dma_wait3A_14 : memref<6144x256xf32, #tpu.memory_space<hbm>>) dst(%arg6 : memref<128x256xf32, #tpu.memory_space<vmem>>)
    %add3A_15 = arith.constant 0 : i32
    %add3A_16 = arith.addi %mul3A_2, %add3A_15 : i32
    %dma_start3A_17 = arith.constant 0 : i32
    %dma_start3A_18 = tpu.memref_slice %arg4[%add3A_16, %dma_start3A_17] : memref<4096x256xf32, #tpu.memory_space<hbm>> -> memref<128x256xf32, #tpu.memory_space<hbm>>
    %dma_start3A_19 = arith.constant 0 : i32
    %dma_start3A_20 = tpu.memref_slice %arg4[%add3A_16, %dma_start3A_19] : memref<4096x256xf32, #tpu.memory_space<hbm>> -> memref<128x256xf32, #tpu.memory_space<hbm>>
    tpu.enqueue_dma source(%arg6 : memref<128x256xf32, #tpu.memory_space<vmem>>) target(%dma_start3A_20 : memref<128x256xf32, #tpu.memory_space<hbm>>) target_semaphore(%arg8 : memref<!tpu.dma_semaphore, #tpu.memory_space<semaphore_mem>>)
    %add3A_21 = arith.constant 0 : i32
    %add3A_22 = arith.addi %mul3A_2, %add3A_21 : i32
    %dma_wait3A_23 = arith.constant 0 : i32
    %dma_wait3A_24 = tpu.memref_slice %arg4[%add3A_22, %dma_wait3A_23] : memref<4096x256xf32, #tpu.memory_space<hbm>> -> memref<128x256xf32, #tpu.memory_space<hbm>>
    %dma_wait3A_25 = arith.constant 0 : i32
    %dma_wait3A_26 = tpu.memref_slice %arg4[%add3A_22, %dma_wait3A_25] : memref<4096x256xf32, #tpu.memory_space<hbm>> -> memref<128x256xf32, #tpu.memory_space<hbm>>
    tpu.wait_dma2 semaphore(%arg8 : memref<!tpu.dma_semaphore, #tpu.memory_space<semaphore_mem>>) src(%arg6 : memref<128x256xf32, #tpu.memory_space<vmem>>) dst(%dma_wait3A_26 : memref<128x256xf32, #tpu.memory_space<hbm>>)
    return
  }
}

module attributes {stable_mosaic.version = 14 : i64} {
  func.func @_trunk_body(%arg0: i32, %arg1: memref<512x1024xf32, #tpu.memory_space<vmem>>, %arg2: memref<1024x1024xf32, #tpu.memory_space<vmem>>, %arg3: memref<1x1024xf32, #tpu.memory_space<vmem>>, %arg4: memref<1024x1024xf32, #tpu.memory_space<vmem>>, %arg5: memref<1x1024xf32, #tpu.memory_space<vmem>>, %arg6: memref<1024x1024xf32, #tpu.memory_space<vmem>>, %arg7: memref<1x1024xf32, #tpu.memory_space<vmem>>, %arg8: memref<512x1024xf32, #tpu.memory_space<vmem>>) attributes {dimension_semantics = [#tpu.dimension_semantics<arbitrary>], iteration_bounds = array<i64: 8>, scalar_prefetch = 0 : i64, scratch_operands = 0 : i64, tpu.core_type = #tpu.core_type<tc>, window_params = [{transform_indices = @transform_0, window_bounds = array<i64: 512, 1024>}, {pipeline_mode = #tpu.pipeline_mode<synchronous>, transform_indices = @transform_1, window_bounds = array<i64: 1024, 1024>}, {pipeline_mode = #tpu.pipeline_mode<synchronous>, transform_indices = @transform_2, window_bounds = array<i64: 1, 1024>}, {pipeline_mode = #tpu.pipeline_mode<synchronous>, transform_indices = @transform_3, window_bounds = array<i64: 1024, 1024>}, {pipeline_mode = #tpu.pipeline_mode<synchronous>, transform_indices = @transform_4, window_bounds = array<i64: 1, 1024>}, {pipeline_mode = #tpu.pipeline_mode<synchronous>, transform_indices = @transform_5, window_bounds = array<i64: 1024, 1024>}, {pipeline_mode = #tpu.pipeline_mode<synchronous>, transform_indices = @transform_6, window_bounds = array<i64: 1, 1024>}, {transform_indices = @transform_7, window_bounds = array<i64: 512, 1024>}]} {
    %get3A = arith.constant 0 : index
    %get3A_0 = arith.constant 0 : index
    %get3A_1 = vector.load %arg1[%get3A, %get3A_0] : memref<512x1024xf32, #tpu.memory_space<vmem>>, vector<512x1024xf32>
    %get3A_2 = arith.constant 0 : index
    %get3A_3 = arith.constant 0 : index
    %get3A_4 = vector.load %arg2[%get3A_2, %get3A_3] : memref<1024x1024xf32, #tpu.memory_space<vmem>>, vector<1024x1024xf32>
    %dot_general3A = arith.constant dense<0.000000e+00> : vector<512x1024xf32>
    %dot_general3A_5 = tpu.matmul %get3A_1, %get3A_4, %dot_general3A {dimension_numbers = #tpu.dot_dimension_numbers<[1], [0], [0], [1], [0, 0, 1, 1], [], []>, transpose_lhs_hint = false} : vector<512x1024xf32>, vector<1024x1024xf32>, vector<512x1024xf32> -> vector<512x1024xf32>
    %get3A_6 = arith.constant 0 : index
    %get3A_7 = arith.constant 0 : index
    %get3A_8 = vector.load %arg3[%get3A_6, %get3A_7] : memref<1x1024xf32, #tpu.memory_space<vmem>>, vector<1x1024xf32>
    %add3A = vector.broadcast %get3A_8 : vector<1x1024xf32> to vector<512x1024xf32>
    %add3A_9 = arith.addf %dot_general3A_5, %add3A : vector<512x1024xf32>
    %tanh3A = math.tanh %add3A_9 : vector<512x1024xf32>
    %get3A_10 = arith.constant 0 : index
    %get3A_11 = arith.constant 0 : index
    %get3A_12 = vector.load %arg4[%get3A_10, %get3A_11] : memref<1024x1024xf32, #tpu.memory_space<vmem>>, vector<1024x1024xf32>
    %dot_general3A_13 = arith.constant dense<0.000000e+00> : vector<512x1024xf32>
    %dot_general3A_14 = tpu.matmul %tanh3A, %get3A_12, %dot_general3A_13 {dimension_numbers = #tpu.dot_dimension_numbers<[1], [0], [0], [1], [0, 0, 1, 1], [], []>, transpose_lhs_hint = false} : vector<512x1024xf32>, vector<1024x1024xf32>, vector<512x1024xf32> -> vector<512x1024xf32>
    %get3A_15 = arith.constant 0 : index
    %get3A_16 = arith.constant 0 : index
    %get3A_17 = vector.load %arg5[%get3A_15, %get3A_16] : memref<1x1024xf32, #tpu.memory_space<vmem>>, vector<1x1024xf32>
    %add3A_18 = vector.broadcast %get3A_17 : vector<1x1024xf32> to vector<512x1024xf32>
    %add3A_19 = arith.addf %dot_general3A_14, %add3A_18 : vector<512x1024xf32>
    %tanh3A_20 = math.tanh %add3A_19 : vector<512x1024xf32>
    %get3A_21 = arith.constant 0 : index
    %get3A_22 = arith.constant 0 : index
    %get3A_23 = vector.load %arg6[%get3A_21, %get3A_22] : memref<1024x1024xf32, #tpu.memory_space<vmem>>, vector<1024x1024xf32>
    %dot_general3A_24 = arith.constant dense<0.000000e+00> : vector<512x1024xf32>
    %dot_general3A_25 = tpu.matmul %tanh3A_20, %get3A_23, %dot_general3A_24 {dimension_numbers = #tpu.dot_dimension_numbers<[1], [0], [0], [1], [0, 0, 1, 1], [], []>, transpose_lhs_hint = false} : vector<512x1024xf32>, vector<1024x1024xf32>, vector<512x1024xf32> -> vector<512x1024xf32>
    %get3A_26 = arith.constant 0 : index
    %get3A_27 = arith.constant 0 : index
    %get3A_28 = vector.load %arg7[%get3A_26, %get3A_27] : memref<1x1024xf32, #tpu.memory_space<vmem>>, vector<1x1024xf32>
    %add3A_29 = vector.broadcast %get3A_28 : vector<1x1024xf32> to vector<512x1024xf32>
    %add3A_30 = arith.addf %dot_general3A_25, %add3A_29 : vector<512x1024xf32>
    %tanh3A_31 = math.tanh %add3A_30 : vector<512x1024xf32>
    %swap3A = arith.constant 0 : index
    %swap3A_32 = arith.constant 0 : index
    %swap3A_33 = vector.load %arg8[%swap3A, %swap3A_32] : memref<512x1024xf32, #tpu.memory_space<vmem>>, vector<512x1024xf32>
    tpu.vector_store %arg8[%swap3A, %swap3A_32], %tanh3A_31 {strides = array<i32>} : memref<512x1024xf32, #tpu.memory_space<vmem>>, vector<512x1024xf32>,
    return
  }
  func.func @transform_0(%arg0: i32) -> (i32, i32) {
    %c0_i32 = arith.constant 0 : i32
    %c0_i32_0 = arith.constant 0 : i32
    return %arg0, %c0_i32 : i32, i32
  }
  func.func @transform_1(%arg0: i32) -> (i32, i32) {
    %c0_i32 = arith.constant 0 : i32
    %c0_i32_0 = arith.constant 0 : i32
    %c0_i32_1 = arith.constant 0 : i32
    return %c0_i32, %c0_i32_0 : i32, i32
  }
  func.func @transform_2(%arg0: i32) -> (i32, i32) {
    %c0_i32 = arith.constant 0 : i32
    %c0_i32_0 = arith.constant 0 : i32
    %c0_i32_1 = arith.constant 0 : i32
    return %c0_i32, %c0_i32_0 : i32, i32
  }
  func.func @transform_3(%arg0: i32) -> (i32, i32) {
    %c0_i32 = arith.constant 0 : i32
    %c0_i32_0 = arith.constant 0 : i32
    %c0_i32_1 = arith.constant 0 : i32
    return %c0_i32, %c0_i32_0 : i32, i32
  }
  func.func @transform_4(%arg0: i32) -> (i32, i32) {
    %c0_i32 = arith.constant 0 : i32
    %c0_i32_0 = arith.constant 0 : i32
    %c0_i32_1 = arith.constant 0 : i32
    return %c0_i32, %c0_i32_0 : i32, i32
  }
  func.func @transform_5(%arg0: i32) -> (i32, i32) {
    %c0_i32 = arith.constant 0 : i32
    %c0_i32_0 = arith.constant 0 : i32
    %c0_i32_1 = arith.constant 0 : i32
    return %c0_i32, %c0_i32_0 : i32, i32
  }
  func.func @transform_6(%arg0: i32) -> (i32, i32) {
    %c0_i32 = arith.constant 0 : i32
    %c0_i32_0 = arith.constant 0 : i32
    %c0_i32_1 = arith.constant 0 : i32
    return %c0_i32, %c0_i32_0 : i32, i32
  }
  func.func @transform_7(%arg0: i32) -> (i32, i32) {
    %c0_i32 = arith.constant 0 : i32
    %c0_i32_0 = arith.constant 0 : i32
    return %arg0, %c0_i32 : i32, i32
  }
}

module attributes {stable_mosaic.version = 14 : i64} {
  func.func @_heads_body(%arg0: i32, %arg1: memref<6x48xi32, #tpu.memory_space<smem>>, %arg2: memref<128x1024xf32, #tpu.memory_space<vmem>>, %arg3: memref<16x1024x1024xf32, #tpu.memory_space<any>>, %arg4: memref<1x1x1024xf32, #tpu.memory_space<vmem>>, %arg5: memref<16x1024x256xf32, #tpu.memory_space<any>>, %arg6: memref<1x1x256xf32, #tpu.memory_space<vmem>>, %arg7: memref<128x256xf32, #tpu.memory_space<vmem>>, %arg8: memref<3x1024x1024xf32, #tpu.memory_space<vmem>>, %arg9: memref<3x1024x256xf32, #tpu.memory_space<vmem>>, %arg10: memref<3x!tpu.dma_semaphore, #tpu.memory_space<semaphore_mem>>, %arg11: memref<3x!tpu.dma_semaphore, #tpu.memory_space<semaphore_mem>>) attributes {dimension_semantics = [#tpu.dimension_semantics<arbitrary>], iteration_bounds = array<i64: 48>, scalar_prefetch = 1 : i64, scratch_operands = 4 : i64, tpu.core_type = #tpu.core_type<tc>, window_params = [{transform_indices = @transform_0, window_bounds = array<i64: 128, 1024>}, {}, {transform_indices = @transform_2, window_bounds = array<i64: 1, 1, 1024>}, {}, {transform_indices = @transform_4, window_bounds = array<i64: 1, 1, 256>}, {transform_indices = @transform_5, window_bounds = array<i64: 128, 256>}]} {
    %get3A = arith.constant 0 : index
    %get3A_0 = arith.index_cast %arg0 : i32 to index
    %get3A_1 = memref.load %arg1[%get3A, %get3A_0] : memref<6x48xi32, #tpu.memory_space<smem>>
    %get3A_2 = arith.constant 1 : index
    %get3A_3 = arith.index_cast %arg0 : i32 to index
    %get3A_4 = memref.load %arg1[%get3A_2, %get3A_3] : memref<6x48xi32, #tpu.memory_space<smem>>
    %get3A_5 = arith.constant 2 : index
    %get3A_6 = arith.index_cast %arg0 : i32 to index
    %get3A_7 = memref.load %arg1[%get3A_5, %get3A_6] : memref<6x48xi32, #tpu.memory_space<smem>>
    %get3A_8 = arith.constant 3 : index
    %get3A_9 = arith.index_cast %arg0 : i32 to index
    %get3A_10 = memref.load %arg1[%get3A_8, %get3A_9] : memref<6x48xi32, #tpu.memory_space<smem>>
    %get3A_11 = arith.constant 4 : index
    %get3A_12 = arith.index_cast %arg0 : i32 to index
    %get3A_13 = memref.load %arg1[%get3A_11, %get3A_12] : memref<6x48xi32, #tpu.memory_space<smem>>
    %get3A_14 = arith.constant 5 : index
    %get3A_15 = arith.index_cast %arg0 : i32 to index
    %get3A_16 = memref.load %arg1[%get3A_14, %get3A_15] : memref<6x48xi32, #tpu.memory_space<smem>>
    %eq3A = arith.constant 0 : i32
    %eq3A_17 = arith.cmpi eq, %arg0, %eq3A : i32
    %convert_element_type3A = arith.extui %eq3A_17 : i1 to i32
    %cond3A = arith.constant 0 : i32
    %cond3A_18 = arith.cmpi ne, %convert_element_type3A, %cond3A : i32
    scf.if %cond3A_18 {
      %dma_start3A = arith.constant 0 : i32
      %dma_start3A_55 = arith.constant 0 : i32
      %dma_start3A_56 = tpu.memref_slice %arg10[%dma_start3A_55] : memref<3x!tpu.dma_semaphore, #tpu.memory_space<semaphore_mem>> -> memref<1x!tpu.dma_semaphore, #tpu.memory_space<semaphore_mem>>
      %dma_start3A_57 = tpu.memref_squeeze %dma_start3A_56 : memref<1x!tpu.dma_semaphore, #tpu.memory_space<semaphore_mem>> -> memref<!tpu.dma_semaphore, #tpu.memory_space<semaphore_mem>>
      %dma_start3A_58 = arith.constant 0 : i32
      %dma_start3A_59 = arith.constant 0 : i32
      %dma_start3A_60 = tpu.memref_slice %arg8[%dma_start3A, %dma_start3A_58, %dma_start3A_59] : memref<3x1024x1024xf32, #tpu.memory_space<vmem>> -> memref<1x1024x1024xf32, #tpu.memory_space<vmem>>
      %dma_start3A_61 = tpu.memref_squeeze %dma_start3A_60 : memref<1x1024x1024xf32, #tpu.memory_space<vmem>> -> memref<1024x1024xf32, #tpu.memory_space<vmem>>
      %dma_start3A_62 = arith.constant 0 : i32
      %dma_start3A_63 = arith.constant 0 : i32
      %dma_start3A_64 = tpu.memref_slice %arg3[%get3A_1, %dma_start3A_62, %dma_start3A_63] : memref<16x1024x1024xf32, #tpu.memory_space<any>> -> memref<1x1024x1024xf32, #tpu.memory_space<any>>
      %dma_start3A_65 = tpu.memref_squeeze %dma_start3A_64 : memref<1x1024x1024xf32, #tpu.memory_space<any>> -> memref<1024x1024xf32, #tpu.memory_space<any>>
      tpu.enqueue_dma source(%dma_start3A_65 : memref<1024x1024xf32, #tpu.memory_space<any>>) target(%dma_start3A_61 : memref<1024x1024xf32, #tpu.memory_space<vmem>>) target_semaphore(%dma_start3A_57 : memref<!tpu.dma_semaphore, #tpu.memory_space<semaphore_mem>>)
      %dma_start3A_66 = arith.constant 0 : i32
      %dma_start3A_67 = arith.constant 0 : i32
      %dma_start3A_68 = tpu.memref_slice %arg11[%dma_start3A_67] : memref<3x!tpu.dma_semaphore, #tpu.memory_space<semaphore_mem>> -> memref<1x!tpu.dma_semaphore, #tpu.memory_space<semaphore_mem>>
      %dma_start3A_69 = tpu.memref_squeeze %dma_start3A_68 : memref<1x!tpu.dma_semaphore, #tpu.memory_space<semaphore_mem>> -> memref<!tpu.dma_semaphore, #tpu.memory_space<semaphore_mem>>
      %dma_start3A_70 = arith.constant 0 : i32
      %dma_start3A_71 = arith.constant 0 : i32
      %dma_start3A_72 = tpu.memref_slice %arg9[%dma_start3A_66, %dma_start3A_70, %dma_start3A_71] : memref<3x1024x256xf32, #tpu.memory_space<vmem>> -> memref<1x1024x256xf32, #tpu.memory_space<vmem>>
      %dma_start3A_73 = tpu.memref_squeeze %dma_start3A_72 : memref<1x1024x256xf32, #tpu.memory_space<vmem>> -> memref<1024x256xf32, #tpu.memory_space<vmem>>
      %dma_start3A_74 = arith.constant 0 : i32
      %dma_start3A_75 = arith.constant 0 : i32
      %dma_start3A_76 = tpu.memref_slice %arg5[%get3A_1, %dma_start3A_74, %dma_start3A_75] : memref<16x1024x256xf32, #tpu.memory_space<any>> -> memref<1x1024x256xf32, #tpu.memory_space<any>>
      %dma_start3A_77 = tpu.memref_squeeze %dma_start3A_76 : memref<1x1024x256xf32, #tpu.memory_space<any>> -> memref<1024x256xf32, #tpu.memory_space<any>>
      tpu.enqueue_dma source(%dma_start3A_77 : memref<1024x256xf32, #tpu.memory_space<any>>) target(%dma_start3A_73 : memref<1024x256xf32, #tpu.memory_space<vmem>>) target_semaphore(%dma_start3A_69 : memref<!tpu.dma_semaphore, #tpu.memory_space<semaphore_mem>>)
      %ge3A = arith.constant 0 : i32
      %ge3A_78 = arith.cmpi sge, %get3A_16, %ge3A : i32
      %convert_element_type3A_79 = arith.extui %ge3A_78 : i1 to i32
      %cond3A_80 = arith.constant 0 : i32
      %cond3A_81 = arith.cmpi ne, %convert_element_type3A_79, %cond3A_80 : i32
      scf.if %cond3A_81 {
        %dma_start3A_82 = arith.constant 1 : i32
        %dma_start3A_83 = arith.constant 1 : i32
        %dma_start3A_84 = tpu.memref_slice %arg10[%dma_start3A_83] : memref<3x!tpu.dma_semaphore, #tpu.memory_space<semaphore_mem>> -> memref<1x!tpu.dma_semaphore, #tpu.memory_space<semaphore_mem>>
        %dma_start3A_85 = tpu.memref_squeeze %dma_start3A_84 : memref<1x!tpu.dma_semaphore, #tpu.memory_space<semaphore_mem>> -> memref<!tpu.dma_semaphore, #tpu.memory_space<semaphore_mem>>
        %dma_start3A_86 = arith.constant 0 : i32
        %dma_start3A_87 = arith.constant 0 : i32
        %dma_start3A_88 = tpu.memref_slice %arg8[%dma_start3A_82, %dma_start3A_86, %dma_start3A_87] : memref<3x1024x1024xf32, #tpu.memory_space<vmem>> -> memref<1x1024x1024xf32, #tpu.memory_space<vmem>>
        %dma_start3A_89 = tpu.memref_squeeze %dma_start3A_88 : memref<1x1024x1024xf32, #tpu.memory_space<vmem>> -> memref<1024x1024xf32, #tpu.memory_space<vmem>>
        %dma_start3A_90 = arith.constant 0 : i32
        %dma_start3A_91 = arith.constant 0 : i32
        %dma_start3A_92 = tpu.memref_slice %arg3[%get3A_16, %dma_start3A_90, %dma_start3A_91] : memref<16x1024x1024xf32, #tpu.memory_space<any>> -> memref<1x1024x1024xf32, #tpu.memory_space<any>>
        %dma_start3A_93 = tpu.memref_squeeze %dma_start3A_92 : memref<1x1024x1024xf32, #tpu.memory_space<any>> -> memref<1024x1024xf32, #tpu.memory_space<any>>
        tpu.enqueue_dma source(%dma_start3A_93 : memref<1024x1024xf32, #tpu.memory_space<any>>) target(%dma_start3A_89 : memref<1024x1024xf32, #tpu.memory_space<vmem>>) target_semaphore(%dma_start3A_85 : memref<!tpu.dma_semaphore, #tpu.memory_space<semaphore_mem>>)
        %dma_start3A_94 = arith.constant 1 : i32
        %dma_start3A_95 = arith.constant 1 : i32
        %dma_start3A_96 = tpu.memref_slice %arg11[%dma_start3A_95] : memref<3x!tpu.dma_semaphore, #tpu.memory_space<semaphore_mem>> -> memref<1x!tpu.dma_semaphore, #tpu.memory_space<semaphore_mem>>
        %dma_start3A_97 = tpu.memref_squeeze %dma_start3A_96 : memref<1x!tpu.dma_semaphore, #tpu.memory_space<semaphore_mem>> -> memref<!tpu.dma_semaphore, #tpu.memory_space<semaphore_mem>>
        %dma_start3A_98 = arith.constant 0 : i32
        %dma_start3A_99 = arith.constant 0 : i32
        %dma_start3A_100 = tpu.memref_slice %arg9[%dma_start3A_94, %dma_start3A_98, %dma_start3A_99] : memref<3x1024x256xf32, #tpu.memory_space<vmem>> -> memref<1x1024x256xf32, #tpu.memory_space<vmem>>
        %dma_start3A_101 = tpu.memref_squeeze %dma_start3A_100 : memref<1x1024x256xf32, #tpu.memory_space<vmem>> -> memref<1024x256xf32, #tpu.memory_space<vmem>>
        %dma_start3A_102 = arith.constant 0 : i32
        %dma_start3A_103 = arith.constant 0 : i32
        %dma_start3A_104 = tpu.memref_slice %arg5[%get3A_16, %dma_start3A_102, %dma_start3A_103] : memref<16x1024x256xf32, #tpu.memory_space<any>> -> memref<1x1024x256xf32, #tpu.memory_space<any>>
        %dma_start3A_105 = tpu.memref_squeeze %dma_start3A_104 : memref<1x1024x256xf32, #tpu.memory_space<any>> -> memref<1024x256xf32, #tpu.memory_space<any>>
        tpu.enqueue_dma source(%dma_start3A_105 : memref<1024x256xf32, #tpu.memory_space<any>>) target(%dma_start3A_101 : memref<1024x256xf32, #tpu.memory_space<vmem>>) target_semaphore(%dma_start3A_97 : memref<!tpu.dma_semaphore, #tpu.memory_space<semaphore_mem>>)
      } else {
      }
    } else {
    }
    %eq3A_19 = arith.constant 1 : i32
    %eq3A_20 = arith.cmpi eq, %get3A_4, %eq3A_19 : i32
    %convert_element_type3A_21 = arith.extui %eq3A_20 : i1 to i32
    %cond3A_22 = arith.constant 0 : i32
    %cond3A_23 = arith.cmpi ne, %convert_element_type3A_21, %cond3A_22 : i32
    scf.if %cond3A_23 {
      %ge3A = arith.constant 0 : i32
      %ge3A_55 = arith.cmpi sge, %get3A_10, %ge3A : i32
      %convert_element_type3A_56 = arith.extui %ge3A_55 : i1 to i32
      %cond3A_57 = arith.constant 0 : i32
      %cond3A_58 = arith.cmpi ne, %convert_element_type3A_56, %cond3A_57 : i32
      scf.if %cond3A_58 {
        %dma_start3A = tpu.memref_slice %arg10[%get3A_13] : memref<3x!tpu.dma_semaphore, #tpu.memory_space<semaphore_mem>> -> memref<1x!tpu.dma_semaphore, #tpu.memory_space<semaphore_mem>>
        %dma_start3A_78 = tpu.memref_squeeze %dma_start3A : memref<1x!tpu.dma_semaphore, #tpu.memory_space<semaphore_mem>> -> memref<!tpu.dma_semaphore, #tpu.memory_space<semaphore_mem>>
        %dma_start3A_79 = arith.constant 0 : i32
        %dma_start3A_80 = arith.constant 0 : i32
        %dma_start3A_81 = tpu.memref_slice %arg8[%get3A_13, %dma_start3A_79, %dma_start3A_80] : memref<3x1024x1024xf32, #tpu.memory_space<vmem>> -> memref<1x1024x1024xf32, #tpu.memory_space<vmem>>
        %dma_start3A_82 = tpu.memref_squeeze %dma_start3A_81 : memref<1x1024x1024xf32, #tpu.memory_space<vmem>> -> memref<1024x1024xf32, #tpu.memory_space<vmem>>
        %dma_start3A_83 = arith.constant 0 : i32
        %dma_start3A_84 = arith.constant 0 : i32
        %dma_start3A_85 = tpu.memref_slice %arg3[%get3A_10, %dma_start3A_83, %dma_start3A_84] : memref<16x1024x1024xf32, #tpu.memory_space<any>> -> memref<1x1024x1024xf32, #tpu.memory_space<any>>
        %dma_start3A_86 = tpu.memref_squeeze %dma_start3A_85 : memref<1x1024x1024xf32, #tpu.memory_space<any>> -> memref<1024x1024xf32, #tpu.memory_space<any>>
        tpu.enqueue_dma source(%dma_start3A_86 : memref<1024x1024xf32, #tpu.memory_space<any>>) target(%dma_start3A_82 : memref<1024x1024xf32, #tpu.memory_space<vmem>>) target_semaphore(%dma_start3A_78 : memref<!tpu.dma_semaphore, #tpu.memory_space<semaphore_mem>>)
        %dma_start3A_87 = tpu.memref_slice %arg11[%get3A_13] : memref<3x!tpu.dma_semaphore, #tpu.memory_space<semaphore_mem>> -> memref<1x!tpu.dma_semaphore, #tpu.memory_space<semaphore_mem>>
        %dma_start3A_88 = tpu.memref_squeeze %dma_start3A_87 : memref<1x!tpu.dma_semaphore, #tpu.memory_space<semaphore_mem>> -> memref<!tpu.dma_semaphore, #tpu.memory_space<semaphore_mem>>
        %dma_start3A_89 = arith.constant 0 : i32
        %dma_start3A_90 = arith.constant 0 : i32
        %dma_start3A_91 = tpu.memref_slice %arg9[%get3A_13, %dma_start3A_89, %dma_start3A_90] : memref<3x1024x256xf32, #tpu.memory_space<vmem>> -> memref<1x1024x256xf32, #tpu.memory_space<vmem>>
        %dma_start3A_92 = tpu.memref_squeeze %dma_start3A_91 : memref<1x1024x256xf32, #tpu.memory_space<vmem>> -> memref<1024x256xf32, #tpu.memory_space<vmem>>
        %dma_start3A_93 = arith.constant 0 : i32
        %dma_start3A_94 = arith.constant 0 : i32
        %dma_start3A_95 = tpu.memref_slice %arg5[%get3A_10, %dma_start3A_93, %dma_start3A_94] : memref<16x1024x256xf32, #tpu.memory_space<any>> -> memref<1x1024x256xf32, #tpu.memory_space<any>>
        %dma_start3A_96 = tpu.memref_squeeze %dma_start3A_95 : memref<1x1024x256xf32, #tpu.memory_space<any>> -> memref<1024x256xf32, #tpu.memory_space<any>>
        tpu.enqueue_dma source(%dma_start3A_96 : memref<1024x256xf32, #tpu.memory_space<any>>) target(%dma_start3A_92 : memref<1024x256xf32, #tpu.memory_space<vmem>>) target_semaphore(%dma_start3A_88 : memref<!tpu.dma_semaphore, #tpu.memory_space<semaphore_mem>>)
      } else {
      }
      %dma_wait3A = tpu.memref_slice %arg10[%get3A_7] : memref<3x!tpu.dma_semaphore, #tpu.memory_space<semaphore_mem>> -> memref<1x!tpu.dma_semaphore, #tpu.memory_space<semaphore_mem>>
      %dma_wait3A_59 = tpu.memref_squeeze %dma_wait3A : memref<1x!tpu.dma_semaphore, #tpu.memory_space<semaphore_mem>> -> memref<!tpu.dma_semaphore, #tpu.memory_space<semaphore_mem>>
      %dma_wait3A_60 = arith.constant 0 : i32
      %dma_wait3A_61 = arith.constant 0 : i32
      %dma_wait3A_62 = tpu.memref_slice %arg8[%get3A_7, %dma_wait3A_60, %dma_wait3A_61] : memref<3x1024x1024xf32, #tpu.memory_space<vmem>> -> memref<1x1024x1024xf32, #tpu.memory_space<vmem>>
      %dma_wait3A_63 = tpu.memref_squeeze %dma_wait3A_62 : memref<1x1024x1024xf32, #tpu.memory_space<vmem>> -> memref<1024x1024xf32, #tpu.memory_space<vmem>>
      %dma_wait3A_64 = arith.constant 0 : i32
      %dma_wait3A_65 = arith.constant 0 : i32
      %dma_wait3A_66 = tpu.memref_slice %arg3[%get3A_1, %dma_wait3A_64, %dma_wait3A_65] : memref<16x1024x1024xf32, #tpu.memory_space<any>> -> memref<1x1024x1024xf32, #tpu.memory_space<any>>
      %dma_wait3A_67 = tpu.memref_squeeze %dma_wait3A_66 : memref<1x1024x1024xf32, #tpu.memory_space<any>> -> memref<1024x1024xf32, #tpu.memory_space<any>>
      tpu.wait_dma2 semaphore(%dma_wait3A_59 : memref<!tpu.dma_semaphore, #tpu.memory_space<semaphore_mem>>) src(%dma_wait3A_67 : memref<1024x1024xf32, #tpu.memory_space<any>>) dst(%dma_wait3A_63 : memref<1024x1024xf32, #tpu.memory_space<vmem>>)
      %dma_wait3A_68 = tpu.memref_slice %arg11[%get3A_7] : memref<3x!tpu.dma_semaphore, #tpu.memory_space<semaphore_mem>> -> memref<1x!tpu.dma_semaphore, #tpu.memory_space<semaphore_mem>>
      %dma_wait3A_69 = tpu.memref_squeeze %dma_wait3A_68 : memref<1x!tpu.dma_semaphore, #tpu.memory_space<semaphore_mem>> -> memref<!tpu.dma_semaphore, #tpu.memory_space<semaphore_mem>>
      %dma_wait3A_70 = arith.constant 0 : i32
      %dma_wait3A_71 = arith.constant 0 : i32
      %dma_wait3A_72 = tpu.memref_slice %arg9[%get3A_7, %dma_wait3A_70, %dma_wait3A_71] : memref<3x1024x256xf32, #tpu.memory_space<vmem>> -> memref<1x1024x256xf32, #tpu.memory_space<vmem>>
      %dma_wait3A_73 = tpu.memref_squeeze %dma_wait3A_72 : memref<1x1024x256xf32, #tpu.memory_space<vmem>> -> memref<1024x256xf32, #tpu.memory_space<vmem>>
      %dma_wait3A_74 = arith.constant 0 : i32
      %dma_wait3A_75 = arith.constant 0 : i32
      %dma_wait3A_76 = tpu.memref_slice %arg5[%get3A_1, %dma_wait3A_74, %dma_wait3A_75] : memref<16x1024x256xf32, #tpu.memory_space<any>> -> memref<1x1024x256xf32, #tpu.memory_space<any>>
      %dma_wait3A_77 = tpu.memref_squeeze %dma_wait3A_76 : memref<1x1024x256xf32, #tpu.memory_space<any>> -> memref<1024x256xf32, #tpu.memory_space<any>>
      tpu.wait_dma2 semaphore(%dma_wait3A_69 : memref<!tpu.dma_semaphore, #tpu.memory_space<semaphore_mem>>) src(%dma_wait3A_77 : memref<1024x256xf32, #tpu.memory_space<any>>) dst(%dma_wait3A_73 : memref<1024x256xf32, #tpu.memory_space<vmem>>)
    } else {
    }
    %get3A_24 = arith.constant 0 : index
    %get3A_25 = arith.constant 0 : index
    %get3A_26 = vector.load %arg2[%get3A_24, %get3A_25] : memref<128x1024xf32, #tpu.memory_space<vmem>>, vector<128x1024xf32>
    %get3A_27 = arith.index_cast %get3A_7 : i32 to index
    %get3A_28 = arith.constant 0 : index
    %get3A_29 = arith.constant 0 : index
    %get3A_30 = vector.load %arg8[%get3A_27, %get3A_28, %get3A_29] : memref<3x1024x1024xf32, #tpu.memory_space<vmem>>, vector<1x1024x1024xf32>
    %get3A_31 = vector.shape_cast %get3A_30 : vector<1x1024x1024xf32> to vector<1024x1024xf32>
    %dot_general3A = arith.constant dense<0.000000e+00> : vector<128x1024xf32>
    %dot_general3A_32 = tpu.matmul %get3A_26, %get3A_31, %dot_general3A {dimension_numbers = #tpu.dot_dimension_numbers<[1], [0], [0], [1], [0, 0, 1, 1], [], []>, transpose_lhs_hint = false} : vector<128x1024xf32>, vector<1024x1024xf32>, vector<128x1024xf32> -> vector<128x1024xf32>
    %get3A_33 = arith.constant 0 : index
    %get3A_34 = arith.constant 0 : index
    %get3A_35 = arith.constant 0 : index
    %get3A_36 = vector.load %arg4[%get3A_33, %get3A_34, %get3A_35] : memref<1x1x1024xf32, #tpu.memory_space<vmem>>, vector<1x1x1024xf32>
    %get3A_37 = vector.shape_cast %get3A_36 : vector<1x1x1024xf32> to vector<1x1024xf32>
    %add3A = vector.broadcast %get3A_37 : vector<1x1024xf32> to vector<128x1024xf32>
    %add3A_38 = arith.addf %dot_general3A_32, %add3A : vector<128x1024xf32>
    %tanh3A = math.tanh %add3A_38 : vector<128x1024xf32>
    %get3A_39 = arith.index_cast %get3A_7 : i32 to index
    %get3A_40 = arith.constant 0 : index
    %get3A_41 = arith.constant 0 : index
    %get3A_42 = vector.load %arg9[%get3A_39, %get3A_40, %get3A_41] : memref<3x1024x256xf32, #tpu.memory_space<vmem>>, vector<1x1024x256xf32>
    %get3A_43 = vector.shape_cast %get3A_42 : vector<1x1024x256xf32> to vector<1024x256xf32>
    %dot_general3A_44 = arith.constant dense<0.000000e+00> : vector<128x256xf32>
    %dot_general3A_45 = tpu.matmul %tanh3A, %get3A_43, %dot_general3A_44 {dimension_numbers = #tpu.dot_dimension_numbers<[1], [0], [0], [1], [0, 0, 1, 1], [], []>, transpose_lhs_hint = false} : vector<128x1024xf32>, vector<1024x256xf32>, vector<128x256xf32> -> vector<128x256xf32>
    %get3A_46 = arith.constant 0 : index
    %get3A_47 = arith.constant 0 : index
    %get3A_48 = arith.constant 0 : index
    %get3A_49 = vector.load %arg6[%get3A_46, %get3A_47, %get3A_48] : memref<1x1x256xf32, #tpu.memory_space<vmem>>, vector<1x1x256xf32>
    %get3A_50 = vector.shape_cast %get3A_49 : vector<1x1x256xf32> to vector<1x256xf32>
    %add3A_51 = vector.broadcast %get3A_50 : vector<1x256xf32> to vector<128x256xf32>
    %add3A_52 = arith.addf %dot_general3A_45, %add3A_51 : vector<128x256xf32>
    %swap3A = arith.constant 0 : index
    %swap3A_53 = arith.constant 0 : index
    %swap3A_54 = vector.load %arg7[%swap3A, %swap3A_53] : memref<128x256xf32, #tpu.memory_space<vmem>>, vector<128x256xf32>
    tpu.vector_store %arg7[%swap3A, %swap3A_53], %add3A_52 {strides = array<i32>} : memref<128x256xf32, #tpu.memory_space<vmem>>, vector<128x256xf32>,
    return
  }
  func.func @transform_0(%arg0: i32, %arg1: memref<6x48xi32, #tpu.memory_space<smem>>) -> (i32, i32) {
    %c0_i32 = arith.constant 0 : i32
    %c0_i32_0 = arith.constant 0 : i32
    return %arg0, %c0_i32 : i32, i32
  }
  func.func @transform_2(%arg0: i32, %arg1: memref<6x48xi32, #tpu.memory_space<smem>>) -> (i32, i32, i32) {
    %get3A = arith.constant 0 : index
    %get3A_0 = arith.index_cast %arg0 : i32 to index
    %get3A_1 = memref.load %arg1[%get3A, %get3A_0] : memref<6x48xi32, #tpu.memory_space<smem>>
    %c0_i32 = arith.constant 0 : i32
    %c0_i32_2 = arith.constant 0 : i32
    %c0_i32_3 = arith.constant 0 : i32
    return %get3A_1, %c0_i32, %c0_i32_2 : i32, i32, i32
  }
  func.func @transform_4(%arg0: i32, %arg1: memref<6x48xi32, #tpu.memory_space<smem>>) -> (i32, i32, i32) {
    %get3A = arith.constant 0 : index
    %get3A_0 = arith.index_cast %arg0 : i32 to index
    %get3A_1 = memref.load %arg1[%get3A, %get3A_0] : memref<6x48xi32, #tpu.memory_space<smem>>
    %c0_i32 = arith.constant 0 : i32
    %c0_i32_2 = arith.constant 0 : i32
    %c0_i32_3 = arith.constant 0 : i32
    return %get3A_1, %c0_i32, %c0_i32_2 : i32, i32, i32
  }
  func.func @transform_5(%arg0: i32, %arg1: memref<6x48xi32, #tpu.memory_space<smem>>) -> (i32, i32) {
    %c0_i32 = arith.constant 0 : i32
    %c0_i32_0 = arith.constant 0 : i32
    return %arg0, %c0_i32 : i32, i32
  }
}

</mosaic_0001>

<sc_bundles>
// kernel: gather_offload_async_start
scs
__scs_entry_jumppad:
0x0: {  	(pc) =	sbr.rel $0x88, $3  }
0x1: {  	(tag) =	ssettag $0x0;
	lr =	simm.s32 $0x1  }
0x2: {  	[smem:$0x3F95] =	sst lr;
	_ =	strace $0xD0000000  }
0x3: {  	_ = 	snop  }
0x4: {  	_ = 	snop  }
0x5: {  	_ = 	snop  }
0x6: {  	_ = 	snop  }
0x7: {  	_ = 	snop  }
__scs_overlays_trampoline_lowered:
0x8: {  	[smem:$0x3FA4] =	sst s0  }
0x9: {  	[smem:$0x3FA5] =	sst s1  }
0xa: {  	[smem:$0x3FA6] =	sst s2  }
0xb: {  	[smem:$0x3FA7] =	sst s3  }
0xc: {  	[smem:$0x3FA8] =	sst s4  }
0xd: {  	[smem:$0x3FA9] =	sst s5  }
0xe: {  	[smem:$0x3FAA] =	sst s6  }
0xf: {  	[smem:$0x3FAB] =	sst s7  }
0x10: {  	[smem:$0x3FAC] =	sst s8  }
0x11: {  	[smem:$0x3FAD] =	sst s9;
	s0 =	simm.s32 @!p0 $0x0  }
0x12: {  	s1 =	sld [smem:$0x3F93];
	s0 =	simm.s32 @p0 $0x1  }
0x13: {  	[smem:$0x3FAE] =	sst s0;
	s0 =	simm.s32 @!p1 $0x0  }
0x14: {  	s2 =	sld [smem:$0x3F92];
	s0 =	simm.s32 @p1 $0x1  }
0x15: {  	[smem:$0x3FAF] =	sst s0;
	s0 =	simm.s32 @!p2 $0x0  }
0x16: {  	s3 =	sld [smem:$0x3FDB];
	s0 =	simm.s32 @p2 $0x1  }
0x17: {  	s4 =	simm.s32 $0x1BF5;
	[smem:$0x3FB1] =	sst s0  }
0x18: {  	s0 =	sld [smem:$0x3F94];
	_ =	swait.ge [sflag:s4], $0x0  }
0x19: {  	s7 =	sld [smem:$0x3F95]  }
0x1a: {  	s8 =	sadd.s32 $0xFFFFE003, lr  }
0x1b: {  	s9 =	sadd.s32 $0xFFFFFEF7, lr;
	s5 =	simm.s32 $0xFFFFFFFF;
	p2 =	slt.u32 s8, $0xFFFFF086  }
0x1c: {  	p1 =	slt.u32 s9, $0xF7A;
	s5 =	simm.s32 @!p2 $0x0  }
0x1d: {  	s5 =	simm.s32 @p1 $0x1;
	p0 =	seq.s32 s7, s2  }
0x1e: {  	s7 =	smul.u32 @!p0 $0xF7A, s2;
	p2 =	seq.s32 @!p0 s5, $0x0  }
0x1f: {  	s9 =	smul.u32 $0xF7A, s1;
	s8 =	simm.s32 @!p0 $0x1BF5;
	p2 =	por !p2, p0  }
0x20: {  	[sflag:s8] =	ssyncset.s32 @!p0 $0xFFFFF086;
	s6 =	sadd.s32 @!p0 s3, s7;
	s7 =	simm.s32 @!p0 $0x108  }
0x21: {  	s3 =	sadd.s32 s3, s9;
	s6 =	sadd.s32 @!p0 $0x88, s6;
	s7 =	simm.s32 @p2 $0x1082  }
0x22: {  	[simem:s7], [sflag:s8] =	dma.local @!p0 [hbm:s6], $0xF7A  }
0x23: {  	s9 =	sor.u32 $0xD0000000, s2;
	s6 =	simm.s32 $0x108;
	_ =	swait.ge @!p0 [sflag:s8], $0x0  }
0x24: {  	s3 =	sadd.s32 $0x88, s3;
	s6 =	simm.s32 @!p1 $0x1082;
	[sflag:s4] =	ssyncset.s32 $0xFFFFF086  }
0x25: {  	[simem:s6], [sflag:s4] =	dma.local [hbm:s3], $0xF7A  }
0x26: {  	[smem:$0x3F95] =	sst s1;
	(tag) =	ssettag s2;
	_ =	strace s9  }
0x27: {  	s1 =	sld [smem:$0x3FA5]  }
0x28: {  	s2 =	sld [smem:$0x3FA6]  }
0x29: {  	s4 =	sld [smem:$0x3FA8]  }
0x2a: {  	p0 =	seq.s32 s5, $0x0;
	s5 =	sld [smem:$0x3FA9]  }
0x2b: {  	s6 =	sld [smem:$0x3FAA]  }
0x2c: {  	s7 =	sld [smem:$0x3FAB]  }
0x2d: {  	s3 =	simm.s32 $0x108;
	s8 =	sld [smem:$0x3FAC]  }
0x2e: {  	s3 =	simm.s32 @!p0 $0x1082;
	s9 =	sld [smem:$0x3FAD]  }
0x2f: {  	lr =	sadd.s32 s0, s3;
	s0 =	sld [smem:$0x3FA4]  }
0x30: {  	s3 =	sld [smem:$0x3FA7]  }
0x31: {  	[smem:$0x3FB0] =	sst s10  }
0x32: {  	s10 =	sld [smem:$0x3FAE];
	_ =	sdelay $0x3  }
0x33: {  	p0 =	seq.s32 s10, $0x1;
	s10 =	sld [smem:$0x3FB0];
	_ =	sdelay $0x3  }
0x34: {  	[smem:$0x3FB0] =	sst s10  }
0x35: {  	s10 =	sld [smem:$0x3FAF];
	_ =	sdelay $0x3  }
0x36: {  	p1 =	seq.s32 s10, $0x1;
	s10 =	sld [smem:$0x3FB0];
	_ =	sdelay $0x3  }
0x37: {  	[smem:$0x3FB0] =	sst s10  }
0x38: {  	s10 =	sld [smem:$0x3FB1]  }
0x39: {  	_ = 	snop;
	(pc) =	sbr.ind lr, $3  }
0x3a: {  	_ = 	snop  }
0x3b: {  	_ = 	snop  }
0x3c: {  	p2 =	seq.s32 s10, $0x1;
	s10 =	sld [smem:$0x3FB0]  }
0x3d: {  	_ =	shalt  }
0x3e: {  	_ =	shalt  }
0x3f: {  	_ =	shalt  }
0x40: {  	_ =	shalt  }
0x41: {  	_ =	shalt  }
0x42: {  	_ =	shalt  }
0x43: {  	_ =	shalt  }
0x44: {  	_ =	shalt  }
0x45: {  	_ =	shalt  }
0x46: {  	_ =	shalt  }
0x47: {  	_ =	shalt  }
0x48: {  	_ =	shalt  }
0x49: {  	_ =	shalt  }
0x4a: {  	_ =	shalt  }
0x4b: {  	_ =	shalt  }
0x4c: {  	_ =	shalt  }
0x4d: {  	_ =	shalt  }
0x4e: {  	_ =	shalt  }
0x4f: {  	_ =	shalt  }
0x50: {  	_ =	shalt  }
0x51: {  	_ =	shalt  }
0x52: {  	_ =	shalt  }
0x53: {  	_ =	shalt  }
0x54: {  	_ =	shalt  }
0x55: {  	_ =	shalt  }
0x56: {  	_ =	shalt  }
0x57: {  	_ =	shalt  }
0x58: {  	_ =	shalt  }
0x59: {  	_ =	shalt  }
0x5a: {  	_ =	shalt  }
0x5b: {  	_ =	shalt  }
0x5c: {  	_ =	shalt  }
0x5d: {  	_ =	shalt  }
0x5e: {  	_ =	shalt  }
0x5f: {  	_ =	shalt  }
0x60: {  	_ =	shalt  }
0x61: {  	_ =	shalt  }
0x62: {  	_ =	shalt  }
0x63: {  	_ =	shalt  }
0x64: {  	_ =	shalt  }
0x65: {  	_ =	shalt  }
0x66: {  	_ =	shalt  }
0x67: {  	_ =	shalt  }
0x68: {  	_ =	shalt  }
0x69: {  	_ =	shalt  }
0x6a: {  	_ =	shalt  }
0x6b: {  	_ =	shalt  }
0x6c: {  	_ =	shalt  }
0x6d: {  	_ =	shalt  }
0x6e: {  	_ =	shalt  }
0x6f: {  	_ =	shalt  }
0x70: {  	_ =	shalt  }
0x71: {  	_ =	shalt  }
0x72: {  	_ =	shalt  }
0x73: {  	_ =	shalt  }
0x74: {  	_ =	shalt  }
0x75: {  	_ =	shalt  }
0x76: {  	_ =	shalt  }
0x77: {  	_ =	shalt  }
0x78: {  	_ =	shalt  }
0x79: {  	_ =	shalt  }
0x7a: {  	_ =	shalt  }
0x7b: {  	_ =	shalt  }
0x7c: {  	_ =	shalt  }
0x7d: {  	_ =	shalt  }
0x7e: {  	_ =	shalt  }
0x7f: {  	_ =	shalt  }
0x80: {  	_ =	shalt  }
0x81: {  	_ =	shalt  }
0x82: {  	_ =	shalt  }
0x83: {  	_ =	shalt  }
0x84: {  	_ =	shalt  }
0x85: {  	_ =	shalt  }
0x86: {  	_ =	shalt  }
0x87: {  	_ =	shalt  }
.Lfunc_end0:
.L_simem_size_0:
called_computation_lowered:
.L_overlay_start_0:
0x88: {  	s2 =	sld [smem:$0x3FD9]  }
0x89: {  	s3 =	sld [smem:$0x3FFE];
	_ =	sdelay $0x1  }
0x8a: {  	s1 =	srdreg.scid  }
0x8b: {  	s0 =	sand.u32 $0x1, s1  }
0x8c: {  	s17 =	sshll.u32 s0, $0xA;
	s2 =	sadd.s32 s3, s2  }
0x8d: {  	s2 =	sadd.s32 s2, s17  }
0x8e: {  	[smem:$0x3FBC] =	sst s2  }
0x8f: {  	_ = 	snop  }
0x90: {  	s2 =	sld [smem:$0x3FD0];
	(tm) =	ssettm $0x1  }
0x91: {  	s18 =	sld [smem:$0x3FFB];
	_ =	sdelay $0x3  }
0x92: {  	_ =	strace s18  }
0x93: {  	s3 =	sld [smem:$0x3FFC];
	_ =	sdelay $0x3  }
0x94: {  	_ =	strace s3  }
0x95: {  	s3 =	sld [smem:$0x3FFD];
	_ =	sdelay $0x3  }
0x96: {  	_ =	strace s3  }
0x97: {  	_ =	strace $0x8FFFFFFF  }
0x98: {  	s19 =	sld [smem:$0x3FDB];
	_ =	sdelay $0x1  }
0x99: {  	s4 =	simm.s32 $_scs_section_size  }
0x9a: {  	s5 =	simm.s32 $_size__tile_overlayer_lowered;
	s6 =	simm.s32 $_tile_overlayer_lowered  }
0x9b: {  	s22 =	simm.s32 $0x1BFF;
	s21 =	sshll.u32 s6, $0x1;
	s3 =	sadd.s32 s4, s19  }
0x9c: {  	s7 =	simm.s32 $0x0;
	s20 =	sshll.u32 s5, $0x1;
	s5 =	sadd.s32 s21, s3  }
0x9d: {  	[timem:s7], [sflag:s22] =	dma.local [hbm:s5], s20  }
0x9e: {  	_ =	swait.ge [sflag:s22], s20  }
0x9f: {  	s4 =	ssub.s32 $0x0, s20;
	[sflag:s22] =	ssyncset.done $0x0  }
0xa0: {  	[sflag:s22] =	ssyncadd.s32 s4;
	_ =	sdelay $0x1  }
0xa1: {  	s23 =	simm.s32 $0x1B8B  }
0xa2: {  	_ =	swait.ge [sflag:s23], $0x1  }
0xa3: {  	[sflag:s23] =	ssyncset.done $0x0  }
0xa4: {  	s25 =	simm.s32 $0x1B8E;
	s24 =	sld [smem:$0x3FFE];
	[sflag:s23] =	ssyncadd.s32 $0xFFFFFFFF  }
0xa5: {  	s26 =	simm.s32 $execute0_lowered;
	[smem:$0x3FD2] =	sst s25  }
0xa6: {  	s5 =	sshll.u32 s26, $0x1;
	_ =	strace $0x80000046;
	[dreg:$0x1] =	wrdreg $0xFFFFFFFF  }
0xa7: {  	s28 =	simm.s32 $_size_execute0_lowered;
	s3 =	sadd.s32 s3, s5;
	[dreg:$0x0] =	wrdreg $0x0  }
0xa8: {  	s5 =	sshll.u32 s28, $0x1;
	[dreg:$0x2] =	wrdreg s3  }
0xa9: {  	[dreg:$0x3] =	wrdreg s5  }
0xaa: {  	[dreg:$0x4] =	wrdreg $0xC0  }
0xab: {  	_ =	task [dreg:s7], $0x5FFFF  }
0xac: {  	[dreg:$0x1] =	wrdreg $0xFFFFFFFF  }
0xad: {  	[dreg:$0x0] =	wrdreg $0x60  }
0xae: {  	[dreg:$0x2] =	wrdreg s2  }
0xaf: {  	[dreg:$0x3] =	wrdreg s24  }
0xb0: {  	[dreg:$0x4] =	wrdreg $0x9  }
0xb1: {  	_ =	task.clear_ibuf [dreg:s7], $0x5FFFF;
	_ =	strace $0x90000046  }
0xb2: {  	s29 =	simm.s32 $0x9;
	_ =	strace $0x80000048  }
0xb3: {  	_ =	swait.ge [sflag:s29], $0x1  }
0xb4: {  	[sflag:s29] =	ssyncadd.s32 $0xFFFFFFFF  }
0xb5: {  	_ =	strace $0x90000048  }
0xb6: {  	_ =	sfence  }
0xb7: {  	s30 =	sld [smem:$0x0];
	_ =	sdelay $0x2  }
0xb8: {  	s31 =	sshll.u32 s1, $0xD;
	s1 =	sshrl.u32 s1, $0x2  }
0xb9: {  	s3 =	sand.u32 $0x4000, s31;
	s1 =	sadd.s32 s1, s30  }
0xba: {  	s0 =	sor.u32 s3, s0;
	s1 =	sshll.u32 s1, $0x11  }
0xbb: {  	s0 =	sor.u32 s1, s0  }
0xbc: {  	s0 =	sadd.s32 $0x8F2B, s0  }
0xbd: {  	[sflag:s0] =	ssyncadd.remote.s32 $0x1  }
0xbe: {  	_ =	sfence.sel $0xFFFF  }
0xbf: {  	[dreg:$0x0] =	wrdreg $0xFFFFFFFF;
	(pc) =	sbr.abs _section_cstart, $3  }
0xc0: {  	[dreg:$0x1] =	wrdreg $0xFFFFFFFF  }
0xc1: {  	_ =	task.clear_ibuf [dreg:s7], $0x2FFFF;
	_ =	strace $0x9FFFFFFF  }
0xc2: {  	(tm) =	ssettm $0x7FFFFFFF  }
0xc3: {  	_ =	shalt  }
tec
execute0_lowered:
.L_overlay_start_1:
0x0: {  	(tag) =	ssettag $0x1  }
0x1: {  	s1 =	srdreg.scid;
	s2 =	rddreg [dreg:$0x0]  }
0x2: {  	s0 =	stileid.u32;
	s5 =	rddreg [dreg:$0x1];
	s6 =	simm.s32 $0x1  }
0x3: {  	s9 =	simm.s32 $0x1;
	s10 =	simm.s32 $0x3;
	s1 =	sshll.u32 s1, $0x6  }
0x4: {  	s13 =	simm.s32 $0x0;
	s3 =	sshll.u32 s0, $0x7;
	s4 =	sand.u32 $0x40, s1  }
0x5: {  	s12 =	simm.s32 $0x0;
	s1 =	rddreg [dreg:$0x2];
	s3 =	sor.u32 s3, s4  }
0x6: {  	_ =	strace $0x80000047;
	s4 =	sadd.s32 $0x2000, s5;
	s8 =	ssub.s32 $0x1000, s3  }
.Ltmp0:
0x7: {  	s5 =	sadd.s32 $0x2200, s5;
	s7 =	sand.u32 $0x7C0, s8;
	(pc) =	sbr.rel .LBB2_1-.Ltmp0, $4  }
0x8: {  	[sflag:s6] =	ssyncpa.u1 $0x0;
	s11 =	smov.u32 s3;
	p0 =	sne.s32 s7, $0x0  }
0x9: {  	s8 =	sshrl.u32 s8, $0xB;
	s7 =	simm.s32 $0x2;
	s9 =	simm.s32 @!p0 $0x0  }
0xa: {  	[sflag:s7] =	ssyncpa.u1 $0x0;
	p0 =	por $0x0, $0x0;
	s8 =	sadd.s32 s9, s8  }
0xb: {  	vm0 =	vmmov $0xffff;
	[sflag:s10] =	ssyncpa.u1 $0x0;
	s10 =	simm.s32 $0x0;
	s9 =	sadd.s32 $0x1, s8  }
.LBB2_4:
0xc: {  	v5 =	vshrl.u32 v1, $0xC;
	v6 =	vshll.u32 v1, $0x7  }
0xd: {  	vm1 =	veq.s32 v1, $0x80000000;
	v58 =	vand.u32 $0xF, v5;
	v59 =	vand.u32 $0x7FF80, v6  }
0xe: {  	v1 =	vsel vm1, $0xFFFFFFFF, v58;
	v5 =	vsel vm1, $0xFFFFFF80, v59  }
0xf: {  	v3 =	vor.u32 v4, v3;
	v60 =	vand.u32 $0xFFFFFC00, v5;
	v61 =	vand.u32 $0xFFFFFC00, v1  }
0x10: {  	v2 =	vor.u32 v2, v3;
	v63 =	vand.u32 $0x380, v5;
	v62 =	vadd.s32 v61, v60  }
0x11: {  	v1 =	vand.u32 $0x7F, v1;
	v3 =	vor.u32 v63, v62  }
0x12: {  	v1 =	vor.u32 v1, v3  }
0x13: {  	[tilespmem:s15], [sflag:$0x1] =	stream.indirect_vreg.gather [hbm4b:s2+s10], $0x1, v0, vm0, $0x4038;
	[tilespmem:$0x100] =	vst v63  }
0x14: {  	(ifvalue) =	ssetifvalue $0x7FFFFFFF  }
0x15: {  	[tilespmem:s16], [sflag:$0x1] =	stream.indirect_vreg.gather [hbm4b:s2+s10], $0x1, v2, vm0, $0x4038;
	[tilespmem:$0x100] =	vst v63  }
0x16: {  	s29 =	sadd.s32 $0x10, s16;
	(ifvalue) =	ssetifvalue $0x7FFFFFFF  }
0x17: {  	[tilespmem:s29], [sflag:$0x1] =	stream.indirect_vreg.gather [hbm4b:s2+s10], $0x1, v1, vm0, $0x4038;
	[tilespmem:$0x100] =	vst v63  }
0x18: {  	_ =	swait.ge [sflag:s6], $0x40  }
0x19: {  	s30 =	sshrl.u32 s13, $0x3;
	[sflag:s6] =	ssyncset.done $0x0  }
0x1a: {  	s31 =	sand.u32 $0x7, s13;
	s15 =	sadd.s32 s5, s30;
	[sflag:s6] =	ssyncadd.s32 $0xFFFFFFC0  }
0x1b: {  	[hbm4b:s15+s31] =	stream.linear.scatter [tilespmem:s14], [sflag:$0x3], $0x40, $0x38;
	[tilespmem:$0x100] =	vst v63  }
.LBB2_5:
0x1c: {  	s15 =	sadd.s32 $0x800, s11  }
0x1d: {  	p2 =	sgt.s32 s15, $0xFFF  }
0x1e: {  	s15 =	smov.u32 @p2 s3;
	p2 =	sne.s32 s12, s9  }
.Ltmp1:
0x1f: {  	p1 =	slt.u32 s12, $0x2;
	(pc) =	sbr.rel @!p2 .LBB2_6-.Ltmp1, $4  }
0x20: {  	s14 =	simm.s32 @!p1 $0x3  }
0x21: {  	s16 =	sadd.s32 $0x1, s12;
	_ =	swait.ge @!p1 [sflag:s14], $0x40  }
0x22: {  	s13 =	smov.u32 s11;
	p0 =	por !p0, !p0;
	[sflag:s14] =	ssyncset.done @!p1 $0x0  }
0x23: {  	s12 =	smov.u32 s16;
	s11 =	smov.u32 s15;
	[sflag:s14] =	ssyncadd.s32 @!p1 $0xFFFFFFC0  }
.LBB2_1:
0x24: {  	p1 =	sge.u32 s12, s8  }
0x25: {  	s14 =	sxor.u32 @!p1 $0xFFFFFFFF, s12  }
0x26: {  	s31 =	sadd.s32 $0xFFFFFFFF, s12;
	s15 =	sshrl.u32 @!p1 s11, $0x3;
	s14 =	sshll.u32 @!p1 s14, $0x6  }
0x27: {  	s16 =	sand.u32 @!p1 $0x7, s11;
	s15 =	sadd.s32 @!p1 s4, s15;
	s14 =	sand.u32 @!p1 $0x40, s14  }
0x28: {  	[tilespmem:s14], [sflag:$0x2] =	stream.linear.gather @!p1 [hbm4b:s15+s16], $0x40, $0x38;
	[tilespmem:$0x100] =	vst v63  }
0x29: {  	p1 =	sge.u32 s31, s8  }
.Ltmp2:
0x2a: {  	_ = 	snop;
	(pc) =	sbr.rel @p1 .LBB2_5-.Ltmp2, $1  }
0x2b: {  	_ =	sdelay $0x3  }
0x2c: {  	s14 =	simm.s32 $0x1  }
0x2d: {  	_ =	swait.ge [sflag:s7], $0x40;
	s14 =	simm.s32 @!p0 $0x0  }
0x2e: {  	[sflag:s7] =	ssyncset.done $0x0;
	s14 =	sshll.u32 s14, $0x6  }
0x2f: {  	[sflag:s7] =	ssyncadd.s32 $0xFFFFFFC0;
	(ifvalue) =	ssetifvalue $0x7FFFFFFF;
	v0 =	vld.msk [tilespmem:s14+$0x0 ss:$0x1], $0xffff;
	_ =	sdelay $0x4  }
0x30: {  	s15 =	sadd.s32 $0x10, s14;
	v2 =	vshrl.u32 v0, $0xC;
	v3 =	vshll.u32 v0, $0x7  }
0x31: {  	v1 =	vld.msk [tilespmem:s15+$0x0 ss:$0x1], $0xffff;
	vm1 =	veq.s32 v0, $0x80000000;
	v0 =	vand.u32 $0xF, v2;
	v2 =	vand.u32 $0x7FF80, v3  }
0x32: {  	v0 =	vsel vm1, $0xFFFFFFFF, v0;
	v2 =	vsel vm1, $0xFFFFFF80, v2  }
0x33: {  	v3 =	vand.u32 $0xFFFFFC00, v2;
	v4 =	vand.u32 $0xFFFFFC00, v0  }
0x34: {  	v2 =	vand.u32 $0x380, v2;
	v3 =	vadd.s32 v4, v3  }
0x35: {  	v0 =	vand.u32 $0x7F, v0;
	v2 =	vor.u32 v2, v3  }
0x36: {  	v5 =	vshll.u32 v1, $0x7;
	v4 =	vshrl.u32 v1, $0xC;
	v0 =	vor.u32 v0, v2  }
0x37: {  	s16 =	sshll.u32 s12, $0x6;
	vm1 =	veq.s32 v1, $0x80000000;
	v1 =	vand.u32 $0xF, v4;
	v4 =	vand.u32 $0x7FF80, v5  }
0x38: {  	s16 =	sand.u32 $0x40, s16;
	s18 =	sadd.s32 $0x10, s15;
	v3 =	vsel vm1, $0xFFFFFFFF, v1;
	v4 =	vsel vm1, $0xFFFFFF80, v4  }
0x39: {  	s17 =	simm.s32 $0x20;
	s15 =	sor.u32 $0x80, s14;
	s14 =	sor.u32 $0x80, s16;
	v1 =	vld.msk [tilespmem:s18+$0x0 ss:$0x1], $0xffff;
	v5 =	vand.u32 $0xFFFFFC00, v4;
	v6 =	vand.u32 $0xFFFFFC00, v3  }
0x3a: {  	s16 =	sadd.s32 $0x10, s15;
	s18 =	sadd.s32 $0x10, s18;
	(ifvalue) =	ssetifvalue $0x7FFFFFFF;
	v2 =	vand.u32 $0x7F, v3;
	v4 =	vand.u32 $0x380, v4;
	v3 =	vadd.s32 v6, v5  }
.LBB2_3:
0x3b: {  	[tilespmem:s15], [sflag:$0x1] =	stream.indirect_vreg.gather [hbm4b:s2+s10], $0x1, v0, vm0, $0x4038;
	[tilespmem:$0x100] =	vst v63  }
0x3c: {  	s17 =	sadd.s32 $0x10, s17  }
0x3d: {  	v3 =	vor.u32 v4, v3;
	p1 =	slt.u32 s17, $0x30  }
.Ltmp3:
0x3e: {  	v4 =	vshrl.u32 v1, $0xC;
	v5 =	vshll.u32 v1, $0x7;
	s15 =	smov.u32 s16;
	v0 =	vor.u32 v2, v3;
	v2 =	vmovc v1;
	v1 =	vld.msk [tilespmem:s18+$0x0 ss:$0x1], $0xffff;
	(pc) =	sbr.rel @p1 .LBB2_3-.Ltmp3, $4  }
0x3f: {  	v3 =	vand.u32 $0x7FF80, v5;
	vm1 =	veq.s32 v2, $0x80000000;
	v2 =	vand.u32 $0xF, v4  }
0x40: {  	v4 =	vsel vm1, $0xFFFFFFFF, v2;
	v5 =	vsel vm1, $0xFFFFFF80, v3  }
0x41: {  	v2 =	vand.u32 $0x7F, v4;
	v3 =	vand.u32 $0xFFFFFC00, v5;
	v4 =	vand.u32 $0xFFFFFC00, v4  }
0x42: {  	s16 =	sadd.s32 $0x10, s16;
	s18 =	sadd.s32 $0x10, s18;
	v3 =	vadd.s32 v4, v3;
	v4 =	vand.u32 $0x380, v5;
	(ifvalue) =	ssetifvalue $0x7FFFFFFF  }
.Ltmp4:
0x43: {  	_ = 	snop;
	(pc) =	sbr.rel .LBB2_4-.Ltmp4, $1  }
0x44: {  	_ =	sdelay $0x3  }
.LBB2_6:
0x45: {  	_ =	sfence.sel $0x180000  }
0x46: {  	s2 =	simm.s32 $0x2;
	[bflag:$0x0] =	sbarrier.arrive $0xFFFF  }
0x47: {  	s30 =	simm.s32 $0x3;
	[sflag:s2] =	ssyncpa.u1 $0x1  }
0x48: {  	s31 =	simm.s32 $0x1;
	[sflag:s30] =	ssyncpa.u1 $0x1  }
0x49: {  	[sflag:s31] =	ssyncpa.u1 $0x1  }
0x4a: {  	p0 =	sne.s32 s0, $0x0;
	_ =	strace $0x90000047  }
0x4b: {  	s0 =	sadd.s32 @!p0 $0x100000, s1;
	[bflag:$0x2] =	sbarrier.arrive $0xFFFF  }
0x4c: {  	[sflag:s0] =	ssyncadd.tile.s32 @!p0 $0x1;
	_ =	shalt  }
.Lfunc_end2:
_tile_overlayer_lowered:
.L_overlay_start_2:
0x4d: {  	(tag) =	ssettag $0x2  }
0x4e: {  	s0 =	rddreg [dreg:$0x0];
	s2 =	stileid.u32  }
0x4f: {  	s1 =	rddreg [dreg:$0x1];
	p0 =	sne.s32 s2, $0x0  }
0x50: {  	s3 =	rddreg [dreg:$0x2];
	[bflag:$0x3] =	sbarrier.arrive $0xFFFF;
	s2 =	simm.s32 @!p0 $0x1C01  }
0x51: {  	[timem:s3], [sflag:s2] =	dma.local @!p0 [hbm:s0], s1  }
0x52: {  	s0 =	simm.s32 @!p0 $0x1  }
0x53: {  	_ =	swait.ge @!p0 [sflag:s0], s1  }
0x54: {  	s1 =	ssub.s32 @!p0 $0x0, s1;
	[sflag:s0] =	ssyncset.done @!p0 $0x0  }
0x55: {  	[sflag:s0] =	ssyncadd.s32 @!p0 s1  }
0x56: {  	[bflag:$0x3] =	sbarrier.arrive $0xFFFF  }
0x57: {  	_ =	shalt  }

// kernel: kernel.6.cloned.1.call-start
scs
__scs_entry_jumppad:
0x0: {  	(pc) =	sbr.rel $0x88, $3  }
0x1: {  	(tag) =	ssettag $0x0;
	lr =	simm.s32 $0x1  }
0x2: {  	[smem:$0x3F95] =	sst lr;
	_ =	strace $0xD0000000  }
0x3: {  	_ = 	snop  }
0x4: {  	_ = 	snop  }
0x5: {  	_ = 	snop  }
0x6: {  	_ = 	snop  }
0x7: {  	_ = 	snop  }
__scs_overlays_trampoline_lowered:
0x8: {  	[smem:$0x3FA4] =	sst s0  }
0x9: {  	[smem:$0x3FA5] =	sst s1  }
0xa: {  	[smem:$0x3FA6] =	sst s2  }
0xb: {  	[smem:$0x3FA7] =	sst s3  }
0xc: {  	[smem:$0x3FA8] =	sst s4  }
0xd: {  	[smem:$0x3FA9] =	sst s5  }
0xe: {  	[smem:$0x3FAA] =	sst s6  }
0xf: {  	[smem:$0x3FAB] =	sst s7  }
0x10: {  	[smem:$0x3FAC] =	sst s8  }
0x11: {  	[smem:$0x3FAD] =	sst s9;
	s0 =	simm.s32 @!p0 $0x0  }
0x12: {  	s1 =	sld [smem:$0x3F93];
	s0 =	simm.s32 @p0 $0x1  }
0x13: {  	[smem:$0x3FAE] =	sst s0;
	s0 =	simm.s32 @!p1 $0x0  }
0x14: {  	s2 =	sld [smem:$0x3F92];
	s0 =	simm.s32 @p1 $0x1  }
0x15: {  	[smem:$0x3FAF] =	sst s0;
	s0 =	simm.s32 @!p2 $0x0  }
0x16: {  	s3 =	sld [smem:$0x3FDB];
	s0 =	simm.s32 @p2 $0x1  }
0x17: {  	s4 =	simm.s32 $0x1BF5;
	[smem:$0x3FB1] =	sst s0  }
0x18: {  	s0 =	sld [smem:$0x3F94];
	_ =	swait.ge [sflag:s4], $0x0  }
0x19: {  	s7 =	sld [smem:$0x3F95]  }
0x1a: {  	s8 =	sadd.s32 $0xFFFFE003, lr  }
0x1b: {  	s9 =	sadd.s32 $0xFFFFFEF7, lr;
	s5 =	simm.s32 $0xFFFFFFFF;
	p2 =	slt.u32 s8, $0xFFFFF086  }
0x1c: {  	p1 =	slt.u32 s9, $0xF7A;
	s5 =	simm.s32 @!p2 $0x0  }
0x1d: {  	s5 =	simm.s32 @p1 $0x1;
	p0 =	seq.s32 s7, s2  }
0x1e: {  	s7 =	smul.u32 @!p0 $0xF7A, s2;
	p2 =	seq.s32 @!p0 s5, $0x0  }
0x1f: {  	s9 =	smul.u32 $0xF7A, s1;
	s8 =	simm.s32 @!p0 $0x1BF5;
	p2 =	por !p2, p0  }
0x20: {  	[sflag:s8] =	ssyncset.s32 @!p0 $0xFFFFF086;
	s6 =	sadd.s32 @!p0 s3, s7;
	s7 =	simm.s32 @!p0 $0x108  }
0x21: {  	s3 =	sadd.s32 s3, s9;
	s6 =	sadd.s32 @!p0 $0x88, s6;
	s7 =	simm.s32 @p2 $0x1082  }
0x22: {  	[simem:s7], [sflag:s8] =	dma.local @!p0 [hbm:s6], $0xF7A  }
0x23: {  	s9 =	sor.u32 $0xD0000000, s2;
	s6 =	simm.s32 $0x108;
	_ =	swait.ge @!p0 [sflag:s8], $0x0  }
0x24: {  	s3 =	sadd.s32 $0x88, s3;
	s6 =	simm.s32 @!p1 $0x1082;
	[sflag:s4] =	ssyncset.s32 $0xFFFFF086  }
0x25: {  	[simem:s6], [sflag:s4] =	dma.local [hbm:s3], $0xF7A  }
0x26: {  	[smem:$0x3F95] =	sst s1;
	(tag) =	ssettag s2;
	_ =	strace s9  }
0x27: {  	s1 =	sld [smem:$0x3FA5]  }
0x28: {  	s2 =	sld [smem:$0x3FA6]  }
0x29: {  	s4 =	sld [smem:$0x3FA8]  }
0x2a: {  	p0 =	seq.s32 s5, $0x0;
	s5 =	sld [smem:$0x3FA9]  }
0x2b: {  	s6 =	sld [smem:$0x3FAA]  }
0x2c: {  	s7 =	sld [smem:$0x3FAB]  }
0x2d: {  	s3 =	simm.s32 $0x108;
	s8 =	sld [smem:$0x3FAC]  }
0x2e: {  	s3 =	simm.s32 @!p0 $0x1082;
	s9 =	sld [smem:$0x3FAD]  }
0x2f: {  	lr =	sadd.s32 s0, s3;
	s0 =	sld [smem:$0x3FA4]  }
0x30: {  	s3 =	sld [smem:$0x3FA7]  }
0x31: {  	[smem:$0x3FB0] =	sst s10  }
0x32: {  	s10 =	sld [smem:$0x3FAE];
	_ =	sdelay $0x3  }
0x33: {  	p0 =	seq.s32 s10, $0x1;
	s10 =	sld [smem:$0x3FB0];
	_ =	sdelay $0x3  }
0x34: {  	[smem:$0x3FB0] =	sst s10  }
0x35: {  	s10 =	sld [smem:$0x3FAF];
	_ =	sdelay $0x3  }
0x36: {  	p1 =	seq.s32 s10, $0x1;
	s10 =	sld [smem:$0x3FB0];
	_ =	sdelay $0x3  }
0x37: {  	[smem:$0x3FB0] =	sst s10  }
0x38: {  	s10 =	sld [smem:$0x3FB1]  }
0x39: {  	_ = 	snop;
	(pc) =	sbr.ind lr, $3  }
0x3a: {  	_ = 	snop  }
0x3b: {  	_ = 	snop  }
0x3c: {  	p2 =	seq.s32 s10, $0x1;
	s10 =	sld [smem:$0x3FB0]  }
0x3d: {  	_ =	shalt  }
0x3e: {  	_ =	shalt  }
0x3f: {  	_ =	shalt  }
0x40: {  	_ =	shalt  }
0x41: {  	_ =	shalt  }
0x42: {  	_ =	shalt  }
0x43: {  	_ =	shalt  }
0x44: {  	_ =	shalt  }
0x45: {  	_ =	shalt  }
0x46: {  	_ =	shalt  }
0x47: {  	_ =	shalt  }
0x48: {  	_ =	shalt  }
0x49: {  	_ =	shalt  }
0x4a: {  	_ =	shalt  }
0x4b: {  	_ =	shalt  }
0x4c: {  	_ =	shalt  }
0x4d: {  	_ =	shalt  }
0x4e: {  	_ =	shalt  }
0x4f: {  	_ =	shalt  }
0x50: {  	_ =	shalt  }
0x51: {  	_ =	shalt  }
0x52: {  	_ =	shalt  }
0x53: {  	_ =	shalt  }
0x54: {  	_ =	shalt  }
0x55: {  	_ =	shalt  }
0x56: {  	_ =	shalt  }
0x57: {  	_ =	shalt  }
0x58: {  	_ =	shalt  }
0x59: {  	_ =	shalt  }
0x5a: {  	_ =	shalt  }
0x5b: {  	_ =	shalt  }
0x5c: {  	_ =	shalt  }
0x5d: {  	_ =	shalt  }
0x5e: {  	_ =	shalt  }
0x5f: {  	_ =	shalt  }
0x60: {  	_ =	shalt  }
0x61: {  	_ =	shalt  }
0x62: {  	_ =	shalt  }
0x63: {  	_ =	shalt  }
0x64: {  	_ =	shalt  }
0x65: {  	_ =	shalt  }
0x66: {  	_ =	shalt  }
0x67: {  	_ =	shalt  }
0x68: {  	_ =	shalt  }
0x69: {  	_ =	shalt  }
0x6a: {  	_ =	shalt  }
0x6b: {  	_ =	shalt  }
0x6c: {  	_ =	shalt  }
0x6d: {  	_ =	shalt  }
0x6e: {  	_ =	shalt  }
0x6f: {  	_ =	shalt  }
0x70: {  	_ =	shalt  }
0x71: {  	_ =	shalt  }
0x72: {  	_ =	shalt  }
0x73: {  	_ =	shalt  }
0x74: {  	_ =	shalt  }
0x75: {  	_ =	shalt  }
0x76: {  	_ =	shalt  }
0x77: {  	_ =	shalt  }
0x78: {  	_ =	shalt  }
0x79: {  	_ =	shalt  }
0x7a: {  	_ =	shalt  }
0x7b: {  	_ =	shalt  }
0x7c: {  	_ =	shalt  }
0x7d: {  	_ =	shalt  }
0x7e: {  	_ =	shalt  }
0x7f: {  	_ =	shalt  }
0x80: {  	_ =	shalt  }
0x81: {  	_ =	shalt  }
0x82: {  	_ =	shalt  }
0x83: {  	_ =	shalt  }
0x84: {  	_ =	shalt  }
0x85: {  	_ =	shalt  }
0x86: {  	_ =	shalt  }
0x87: {  	_ =	shalt  }
.Lfunc_end0:
.L_simem_size_0:
called_computation.1_lowered:
.L_overlay_start_0:
0x88: {  	s2 =	sld [smem:$0x3FD9]  }
0x89: {  	s3 =	sld [smem:$0x3FFE];
	_ =	sdelay $0x1  }
0x8a: {  	s1 =	srdreg.scid  }
0x8b: {  	s0 =	sand.u32 $0x1, s1  }
0x8c: {  	s17 =	sshll.u32 s0, $0xA;
	s2 =	sadd.s32 s3, s2  }
0x8d: {  	s2 =	sadd.s32 s2, s17  }
0x8e: {  	[smem:$0x3FBC] =	sst s2  }
0x8f: {  	_ = 	snop  }
0x90: {  	s2 =	sld [smem:$0x3FD0];
	(tm) =	ssettm $0x1  }
0x91: {  	s18 =	sld [smem:$0x3FFB];
	_ =	sdelay $0x3  }
0x92: {  	_ =	strace s18  }
0x93: {  	s3 =	sld [smem:$0x3FFC];
	_ =	sdelay $0x3  }
0x94: {  	_ =	strace s3  }
0x95: {  	s3 =	sld [smem:$0x3FFD];
	_ =	sdelay $0x3  }
0x96: {  	_ =	strace s3  }
0x97: {  	_ =	strace $0x8FFFFFFF  }
0x98: {  	s19 =	sld [smem:$0x3FDB];
	_ =	sdelay $0x1  }
0x99: {  	s4 =	simm.s32 $_scs_section_size  }
0x9a: {  	s5 =	simm.s32 $_size__tile_overlayer_lowered;
	s6 =	simm.s32 $_tile_overlayer_lowered  }
0x9b: {  	s22 =	simm.s32 $0x1BFF;
	s21 =	sshll.u32 s6, $0x1;
	s3 =	sadd.s32 s4, s19  }
0x9c: {  	s7 =	simm.s32 $0x0;
	s20 =	sshll.u32 s5, $0x1;
	s5 =	sadd.s32 s21, s3  }
0x9d: {  	[timem:s7], [sflag:s22] =	dma.local [hbm:s5], s20  }
0x9e: {  	_ =	swait.ge [sflag:s22], s20  }
0x9f: {  	s4 =	ssub.s32 $0x0, s20;
	[sflag:s22] =	ssyncset.done $0x0  }
0xa0: {  	[sflag:s22] =	ssyncadd.s32 s4;
	_ =	sdelay $0x1  }
0xa1: {  	s23 =	simm.s32 $0x1B8B  }
0xa2: {  	_ =	swait.ge [sflag:s23], $0x1  }
0xa3: {  	[sflag:s23] =	ssyncset.done $0x0  }
0xa4: {  	s25 =	simm.s32 $0x1B8E;
	s24 =	sld [smem:$0x3FFE];
	[sflag:s23] =	ssyncadd.s32 $0xFFFFFFFF  }
0xa5: {  	s26 =	simm.s32 $execute0_lowered;
	[smem:$0x3FD2] =	sst s25  }
0xa6: {  	s5 =	sshll.u32 s26, $0x1;
	_ =	strace $0x80000049;
	[dreg:$0x1] =	wrdreg $0xFFFFFFFF  }
0xa7: {  	s28 =	simm.s32 $_size_execute0_lowered;
	s3 =	sadd.s32 s3, s5;
	[dreg:$0x0] =	wrdreg $0x0  }
0xa8: {  	s5 =	sshll.u32 s28, $0x1;
	[dreg:$0x2] =	wrdreg s3  }
0xa9: {  	[dreg:$0x3] =	wrdreg s5  }
0xaa: {  	[dreg:$0x4] =	wrdreg $0xC0  }
0xab: {  	_ =	task [dreg:s7], $0x5FFFF  }
0xac: {  	[dreg:$0x1] =	wrdreg $0xFFFFFFFF  }
0xad: {  	[dreg:$0x0] =	wrdreg $0x60  }
0xae: {  	[dreg:$0x2] =	wrdreg s24  }
0xaf: {  	[dreg:$0x3] =	wrdreg s2  }
0xb0: {  	[dreg:$0x4] =	wrdreg $0x9  }
0xb1: {  	_ =	task.clear_ibuf [dreg:s7], $0x5FFFF;
	_ =	strace $0x90000049  }
0xb2: {  	s29 =	simm.s32 $0x9;
	_ =	strace $0x8000004B  }
0xb3: {  	_ =	swait.ge [sflag:s29], $0x1  }
0xb4: {  	[sflag:s29] =	ssyncadd.s32 $0xFFFFFFFF  }
0xb5: {  	_ =	strace $0x9000004B  }
0xb6: {  	_ =	sfence  }
0xb7: {  	s30 =	sld [smem:$0x0];
	_ =	sdelay $0x2  }
0xb8: {  	s31 =	sshll.u32 s1, $0xD;
	s1 =	sshrl.u32 s1, $0x2  }
0xb9: {  	s3 =	sand.u32 $0x4000, s31;
	s1 =	sadd.s32 s1, s30  }
0xba: {  	s0 =	sor.u32 s3, s0;
	s1 =	sshll.u32 s1, $0x11  }
0xbb: {  	s0 =	sor.u32 s1, s0  }
0xbc: {  	s0 =	sadd.s32 $0x8F2B, s0  }
0xbd: {  	[sflag:s0] =	ssyncadd.remote.s32 $0x1  }
0xbe: {  	_ =	sfence.sel $0xFFFF  }
0xbf: {  	[dreg:$0x0] =	wrdreg $0xFFFFFFFF;
	(pc) =	sbr.abs _section_cstart, $3  }
0xc0: {  	[dreg:$0x1] =	wrdreg $0xFFFFFFFF  }
0xc1: {  	_ =	task.clear_ibuf [dreg:s7], $0x2FFFF;
	_ =	strace $0x9FFFFFFF  }
0xc2: {  	(tm) =	ssettm $0x7FFFFFFF  }
0xc3: {  	_ =	shalt  }
tec
execute0_lowered:
.L_overlay_start_1:
0x0: {  	(tag) =	ssettag $0x1  }
0x1: {  	s0 =	rddreg [dreg:$0x0]  }
0x2: {  	s1 =	rddreg [dreg:$0x1];
	s3 =	srdreg.scid  }
0x3: {  	s5 =	stileid.u32;
	s2 =	simm.s32 $0x0;
	s18 =	simm.s32 $0xA00  }
0x4: {  	s19 =	simm.s32 $0x1200;
	s20 =	simm.s32 $0x1A00;
	s28 =	simm.s32 $0x5200  }
0x5: {  	s29 =	simm.s32 $0x5A00;
	s30 =	simm.s32 $0x6200;
	s31 =	simm.s32 $0x6A00  }
0x6: {  	s12 =	simm.s32 $0x8A00;
	s11 =	simm.s32 $0xA200;
	s13 =	simm.s32 $0xAA00  }
0x7: {  	s14 =	simm.s32 $0xB200;
	s15 =	simm.s32 $0xBA00;
	s16 =	simm.s32 $0xC200  }
0x8: {  	s4 =	sand.u32 $0x1, s3;
	s21 =	sshll.u32 s5, $0x1;
	[smem:$0x7FF] =	sst s2  }
0x9: {  	s3 =	sadd.s32 $0x2400, s0;
	s8 =	sadd.s32 $0x82400, s0;
	s5 =	sor.u32 s4, s21  }
0xa: {  	_ =	strace $0x8000004A;
	s4 =	ssub.s32 $0x2, s4;
	s6 =	smul.u32 $0x6000, s5  }
0xb: {  	s7 =	smul.u32 $0x30000, s5;
	s9 =	sshrl.u32 s4, $0x1;
	s5 =	sshll.u32 s5, $0x6  }
0xc: {  	s21 =	simm.s32 $0x2200;
	s1 =	sadd.s32 s1, s5;
	s4 =	ssub.s32 s4, s9  }
0xd: {  	s5 =	sadd.s32 $0x2500, s0;
	s6 =	sadd.s32 s8, s6;
	s22 =	sshrl.u32 s7, $0x3  }
0xe: {  	[dreg:$0x3] =	wrdreg s1;
	s7 =	sadd.s32 $0x2700, s0;
	s10 =	smax.u32 s4, $0x1  }
0xf: {  	s1 =	simm.s32 $0x3;
	[dreg:$0x7] =	wrdreg s6;
	s23 =	sadd.s32 $0x1800, s6  }
0x10: {  	s24 =	sadd.s32 s8, s22;
	s6 =	sadd.s32 $0x2600, s0;
	s22 =	simm.s32 $0x2A00  }
0x11: {  	v2 =	vlaneseq.u32;
	[dreg:$0x4] =	wrdreg s23;
	s25 =	sadd.s32 $0x3000, s24;
	s26 =	sadd.s32 $0x4800, s24  }
0x12: {  	vm0 =	vmmov $0xffff;
	v1 =	vshrl.u32 v2, $0x3;
	s23 =	simm.s32 $0x3200;
	s24 =	simm.s32 $0x3A00;
	[dreg:$0x5] =	wrdreg s25  }
0x13: {  	v0 =	vand.u32 $0x7, v2;
	v2 =	vor.u32 $0x8, v2;
	v1 =	vmul.u32 $0x8, v1;
	[dreg:$0x6] =	wrdreg s26;
	s25 =	simm.s32 $0x4200;
	s26 =	simm.s32 $0x4A00  }
.LBB2_1:
0x14: {  	s17 =	rddreg [dreg:$0x3];
	s0 =	simm.s32 $0x5  }
0x15: {  	[tilespmem:s2], [sflag:$0x5] =	stream.linear.gather [hbm4b:s17+s2], $0x200, $0x38;
	[tilespmem:$0x18200] =	vst v63  }
0x16: {  	_ =	swait.ge [sflag:s0], $0x200  }
0x17: {  	[sflag:s0] =	ssyncset.done $0x0  }
0x18: {  	[sflag:s0] =	ssyncadd.s32 $0xFFFFFE00  }
0x19: {  	v3 =	vld [tilespmem:$0x0];
	_ =	sdelay $0x4  }
0x1a: {  	v4 =	vshll.u32 v3, $0x3  }
0x1b: {  	v3 =	vand.u32 $0x7, v3;
	v4 =	vand.u32 $0xFFFFFFC0, v4  }
0x1c: {  	v3 =	vor.u32 v3, v4  }
0x1d: {  	v4 =	vperm.xlane v3, v0;
	_ =	sdelay $0x1  }
0x1e: {  	v4 =	vadd.s32 v1, v4;
	_ =	sdelay $0x3  }
0x1f: {  	s4 =	simm.s32 $0x200  }
0x20: {  	[tilespmem:s4], [sflag:$0x1] =	stream.indirect_vreg.gather [hbm4b:s3+s2], $0x80, v4, vm0, $0xb8;
	[tilespmem:$0x18200] =	vst v63  }
0x21: {  	v3 =	vperm.xlane v3, v2  }
0x22: {  	[tilespmem:s18], [sflag:$0x1] =	stream.indirect_vreg.gather [hbm4b:s5+s2], $0x80, v4, vm0, $0xb8;
	[tilespmem:$0x18200] =	vst v63  }
0x23: {  	v3 =	vadd.s32 v1, v3  }
0x24: {  	[tilespmem:s19], [sflag:$0x1] =	stream.indirect_vreg.gather [hbm4b:s6+s2], $0x80, v4, vm0, $0xb8;
	[tilespmem:$0x18200] =	vst v63  }
0x25: {  	_ = 	snop  }
0x26: {  	[tilespmem:s20], [sflag:$0x1] =	stream.indirect_vreg.gather [hbm4b:s7+s2], $0x80, v4, vm0, $0xb8;
	[tilespmem:$0x18200] =	vst v63  }
0x27: {  	_ = 	snop  }
0x28: {  	[tilespmem:s21], [sflag:$0x1] =	stream.indirect_vreg.gather [hbm4b:s3+s2], $0x80, v3, vm0, $0xb8;
	[tilespmem:$0x18200] =	vst v63  }
0x29: {  	_ = 	snop  }
0x2a: {  	[tilespmem:s22], [sflag:$0x1] =	stream.indirect_vreg.gather [hbm4b:s5+s2], $0x80, v3, vm0, $0xb8;
	[tilespmem:$0x18200] =	vst v63  }
0x2b: {  	_ = 	snop  }
0x2c: {  	[tilespmem:s23], [sflag:$0x1] =	stream.indirect_vreg.gather [hbm4b:s6+s2], $0x80, v3, vm0, $0xb8;
	[tilespmem:$0x18200] =	vst v63  }
0x2d: {  	_ = 	snop  }
0x2e: {  	[tilespmem:s24], [sflag:$0x1] =	stream.indirect_vreg.gather [hbm4b:s7+s2], $0x80, v3, vm0, $0xb8;
	[tilespmem:$0x18200] =	vst v63  }
0x2f: {  	v3 =	vld [tilespmem:$0x10];
	_ =	sdelay $0x4  }
0x30: {  	v53 =	vshll.u32 v3, $0x3  }
0x31: {  	v3 =	vand.u32 $0x7, v3;
	v4 =	vand.u32 $0xFFFFFFC0, v53  }
0x32: {  	v3 =	vor.u32 v3, v4  }
0x33: {  	v4 =	vperm.xlane v3, v0;
	_ =	sdelay $0x1  }
0x34: {  	v4 =	vadd.s32 v1, v4;
	_ =	sdelay $0x4  }
0x35: {  	[tilespmem:s25], [sflag:$0x1] =	stream.indirect_vreg.gather [hbm4b:s3+s2], $0x80, v4, vm0, $0xb8;
	[tilespmem:$0x18200] =	vst v63  }
0x36: {  	v3 =	vperm.xlane v3, v2  }
0x37: {  	[tilespmem:s26], [sflag:$0x1] =	stream.indirect_vreg.gather [hbm4b:s5+s2], $0x80, v4, vm0, $0xb8;
	[tilespmem:$0x18200] =	vst v63  }
0x38: {  	v3 =	vadd.s32 v1, v3  }
0x39: {  	[tilespmem:s28], [sflag:$0x1] =	stream.indirect_vreg.gather [hbm4b:s6+s2], $0x80, v4, vm0, $0xb8;
	[tilespmem:$0x18200] =	vst v63  }
0x3a: {  	_ = 	snop  }
0x3b: {  	[tilespmem:s29], [sflag:$0x1] =	stream.indirect_vreg.gather [hbm4b:s7+s2], $0x80, v4, vm0, $0xb8;
	[tilespmem:$0x18200] =	vst v63  }
0x3c: {  	_ = 	snop  }
0x3d: {  	[tilespmem:s30], [sflag:$0x1] =	stream.indirect_vreg.gather [hbm4b:s3+s2], $0x80, v3, vm0, $0xb8;
	[tilespmem:$0x18200] =	vst v63  }
0x3e: {  	_ = 	snop  }
0x3f: {  	[tilespmem:s31], [sflag:$0x1] =	stream.indirect_vreg.gather [hbm4b:s5+s2], $0x80, v3, vm0, $0xb8;
	[tilespmem:$0x18200] =	vst v63  }
0x40: {  	s8 =	simm.s32 $0x7200  }
0x41: {  	[tilespmem:s8], [sflag:$0x1] =	stream.indirect_vreg.gather [hbm4b:s6+s2], $0x80, v3, vm0, $0xb8;
	[tilespmem:$0x18200] =	vst v63  }
0x42: {  	s9 =	simm.s32 $0x7A00  }
0x43: {  	[tilespmem:s9], [sflag:$0x1] =	stream.indirect_vreg.gather [hbm4b:s7+s2], $0x80, v3, vm0, $0xb8;
	[tilespmem:$0x18200] =	vst v63  }
0x44: {  	v3 =	vld [tilespmem:$0x20];
	_ =	sdelay $0x4  }
0x45: {  	v54 =	vshll.u32 v3, $0x3  }
0x46: {  	v3 =	vand.u32 $0x7, v3;
	v4 =	vand.u32 $0xFFFFFFC0, v54  }
0x47: {  	v3 =	vor.u32 v3, v4  }
0x48: {  	v4 =	vperm.xlane v3, v0;
	_ =	sdelay $0x1  }
0x49: {  	v4 =	vadd.s32 v1, v4;
	_ =	sdelay $0x3  }
0x4a: {  	s4 =	simm.s32 $0x8200  }
0x4b: {  	[tilespmem:s4], [sflag:$0x1] =	stream.indirect_vreg.gather [hbm4b:s3+s2], $0x80, v4, vm0, $0xb8;
	[tilespmem:$0x18200] =	vst v63  }
0x4c: {  	v3 =	vperm.xlane v3, v2  }
0x4d: {  	[tilespmem:s12], [sflag:$0x1] =	stream.indirect_vreg.gather [hbm4b:s5+s2], $0x80, v4, vm0, $0xb8;
	[tilespmem:$0x18200] =	vst v63  }
0x4e: {  	s9 =	simm.s32 $0x9200;
	v3 =	vadd.s32 v1, v3  }
0x4f: {  	[tilespmem:s9], [sflag:$0x1] =	stream.indirect_vreg.gather [hbm4b:s6+s2], $0x80, v4, vm0, $0xb8;
	[tilespmem:$0x18200] =	vst v63  }
0x50: {  	s17 =	simm.s32 $0x9A00  }
0x51: {  	[tilespmem:s17], [sflag:$0x1] =	stream.indirect_vreg.gather [hbm4b:s7+s2], $0x80, v4, vm0, $0xb8;
	[tilespmem:$0x18200] =	vst v63  }
0x52: {  	_ = 	snop  }
0x53: {  	[tilespmem:s11], [sflag:$0x1] =	stream.indirect_vreg.gather [hbm4b:s3+s2], $0x80, v3, vm0, $0xb8;
	[tilespmem:$0x18200] =	vst v63  }
0x54: {  	_ = 	snop  }
0x55: {  	[tilespmem:s13], [sflag:$0x1] =	stream.indirect_vreg.gather [hbm4b:s5+s2], $0x80, v3, vm0, $0xb8;
	[tilespmem:$0x18200] =	vst v63  }
0x56: {  	_ = 	snop  }
0x57: {  	[tilespmem:s14], [sflag:$0x1] =	stream.indirect_vreg.gather [hbm4b:s6+s2], $0x80, v3, vm0, $0xb8;
	[tilespmem:$0x18200] =	vst v63  }
0x58: {  	_ = 	snop  }
0x59: {  	[tilespmem:s15], [sflag:$0x1] =	stream.indirect_vreg.gather [hbm4b:s7+s2], $0x80, v3, vm0, $0xb8;
	[tilespmem:$0x18200] =	vst v63  }
0x5a: {  	v3 =	vld [tilespmem:$0x80];
	_ =	sdelay $0x4  }
0x5b: {  	v55 =	vshll.u32 v3, $0x3  }
0x5c: {  	v3 =	vand.u32 $0x7, v3;
	v4 =	vand.u32 $0xFFFFFFC0, v55  }
0x5d: {  	v3 =	vor.u32 v3, v4  }
0x5e: {  	v4 =	vperm.xlane v3, v0;
	_ =	sdelay $0x1  }
0x5f: {  	v4 =	vadd.s32 v1, v4;
	_ =	sdelay $0x4  }
0x60: {  	[tilespmem:s16], [sflag:$0x2] =	stream.indirect_vreg.gather [hbm4b:s3+s2], $0x80, v4, vm0, $0xb8;
	[tilespmem:$0x18200] =	vst v63  }
0x61: {  	s8 =	simm.s32 $0xCA00;
	v3 =	vperm.xlane v3, v2  }
0x62: {  	[tilespmem:s8], [sflag:$0x2] =	stream.indirect_vreg.gather [hbm4b:s5+s2], $0x80, v4, vm0, $0xb8;
	[tilespmem:$0x18200] =	vst v63  }
0x63: {  	s17 =	simm.s32 $0xD200;
	v3 =	vadd.s32 v1, v3  }
0x64: {  	[tilespmem:s17], [sflag:$0x2] =	stream.indirect_vreg.gather [hbm4b:s6+s2], $0x80, v4, vm0, $0xb8;
	[tilespmem:$0x18200] =	vst v63  }
0x65: {  	s8 =	simm.s32 $0xDA00  }
0x66: {  	[tilespmem:s8], [sflag:$0x2] =	stream.indirect_vreg.gather [hbm4b:s7+s2], $0x80, v4, vm0, $0xb8;
	[tilespmem:$0x18200] =	vst v63  }
0x67: {  	s17 =	simm.s32 $0xE200  }
0x68: {  	[tilespmem:s17], [sflag:$0x2] =	stream.indirect_vreg.gather [hbm4b:s3+s2], $0x80, v3, vm0, $0xb8;
	[tilespmem:$0x18200] =	vst v63  }
0x69: {  	s8 =	simm.s32 $0xEA00  }
0x6a: {  	[tilespmem:s8], [sflag:$0x2] =	stream.indirect_vreg.gather [hbm4b:s5+s2], $0x80, v3, vm0, $0xb8;
	[tilespmem:$0x18200] =	vst v63  }
0x6b: {  	s17 =	simm.s32 $0xF200  }
0x6c: {  	[tilespmem:s17], [sflag:$0x2] =	stream.indirect_vreg.gather [hbm4b:s6+s2], $0x80, v3, vm0, $0xb8;
	[tilespmem:$0x18200] =	vst v63  }
0x6d: {  	s8 =	simm.s32 $0xFA00  }
0x6e: {  	[tilespmem:s8], [sflag:$0x2] =	stream.indirect_vreg.gather [hbm4b:s7+s2], $0x80, v3, vm0, $0xb8;
	[tilespmem:$0x18200] =	vst v63  }
0x6f: {  	v3 =	vld [tilespmem:$0x90];
	_ =	sdelay $0x4  }
0x70: {  	v56 =	vshll.u32 v3, $0x3  }
0x71: {  	v3 =	vand.u32 $0x7, v3;
	v4 =	vand.u32 $0xFFFFFFC0, v56  }
0x72: {  	v3 =	vor.u32 v3, v4  }
0x73: {  	v4 =	vperm.xlane v3, v0;
	_ =	sdelay $0x1  }
0x74: {  	v4 =	vadd.s32 v1, v4;
	_ =	sdelay $0x3  }
0x75: {  	s17 =	simm.s32 $0x10200  }
0x76: {  	[tilespmem:s17], [sflag:$0x2] =	stream.indirect_vreg.gather [hbm4b:s3+s2], $0x80, v4, vm0, $0xb8;
	[tilespmem:$0x18200] =	vst v63  }
0x77: {  	s8 =	simm.s32 $0x10A00;
	v3 =	vperm.xlane v3, v2  }
0x78: {  	[tilespmem:s8], [sflag:$0x2] =	stream.indirect_vreg.gather [hbm4b:s5+s2], $0x80, v4, vm0, $0xb8;
	[tilespmem:$0x18200] =	vst v63  }
0x79: {  	v3 =	vadd.s32 v1, v3;
	s17 =	simm.s32 $0x11200  }
0x7a: {  	[tilespmem:s17], [sflag:$0x2] =	stream.indirect_vreg.gather [hbm4b:s6+s2], $0x80, v4, vm0, $0xb8;
	[tilespmem:$0x18200] =	vst v63  }
0x7b: {  	s8 =	simm.s32 $0x11A00  }
0x7c: {  	[tilespmem:s8], [sflag:$0x2] =	stream.indirect_vreg.gather [hbm4b:s7+s2], $0x80, v4, vm0, $0xb8;
	[tilespmem:$0x18200] =	vst v63  }
0x7d: {  	s17 =	simm.s32 $0x12200  }
0x7e: {  	[tilespmem:s17], [sflag:$0x2] =	stream.indirect_vreg.gather [hbm4b:s3+s2], $0x80, v3, vm0, $0xb8;
	[tilespmem:$0x18200] =	vst v63  }
0x7f: {  	s8 =	simm.s32 $0x12A00  }
0x80: {  	[tilespmem:s8], [sflag:$0x2] =	stream.indirect_vreg.gather [hbm4b:s5+s2], $0x80, v3, vm0, $0xb8;
	[tilespmem:$0x18200] =	vst v63  }
0x81: {  	s17 =	simm.s32 $0x13200  }
0x82: {  	[tilespmem:s17], [sflag:$0x2] =	stream.indirect_vreg.gather [hbm4b:s6+s2], $0x80, v3, vm0, $0xb8;
	[tilespmem:$0x18200] =	vst v63  }
0x83: {  	s8 =	simm.s32 $0x13A00  }
0x84: {  	[tilespmem:s8], [sflag:$0x2] =	stream.indirect_vreg.gather [hbm4b:s7+s2], $0x80, v3, vm0, $0xb8;
	[tilespmem:$0x18200] =	vst v63  }
0x85: {  	v3 =	vld [tilespmem:$0xA0];
	_ =	sdelay $0x4  }
0x86: {  	v57 =	vshll.u32 v3, $0x3  }
0x87: {  	v3 =	vand.u32 $0x7, v3;
	v4 =	vand.u32 $0xFFFFFFC0, v57  }
0x88: {  	v3 =	vor.u32 v3, v4  }
0x89: {  	v4 =	vperm.xlane v3, v0;
	_ =	sdelay $0x1  }
0x8a: {  	v4 =	vadd.s32 v1, v4;
	_ =	sdelay $0x3  }
0x8b: {  	s17 =	simm.s32 $0x14200  }
0x8c: {  	[tilespmem:s17], [sflag:$0x2] =	stream.indirect_vreg.gather [hbm4b:s3+s2], $0x80, v4, vm0, $0xb8;
	[tilespmem:$0x18200] =	vst v63  }
0x8d: {  	s8 =	simm.s32 $0x14A00;
	v3 =	vperm.xlane v3, v2  }
0x8e: {  	[tilespmem:s8], [sflag:$0x2] =	stream.indirect_vreg.gather [hbm4b:s5+s2], $0x80, v4, vm0, $0xb8;
	[tilespmem:$0x18200] =	vst v63  }
0x8f: {  	v3 =	vadd.s32 v1, v3;
	s17 =	simm.s32 $0x15200  }
0x90: {  	[tilespmem:s17], [sflag:$0x2] =	stream.indirect_vreg.gather [hbm4b:s6+s2], $0x80, v4, vm0, $0xb8;
	[tilespmem:$0x18200] =	vst v63  }
0x91: {  	s8 =	simm.s32 $0x15A00  }
0x92: {  	[tilespmem:s8], [sflag:$0x2] =	stream.indirect_vreg.gather [hbm4b:s7+s2], $0x80, v4, vm0, $0xb8;
	[tilespmem:$0x18200] =	vst v63  }
0x93: {  	s17 =	simm.s32 $0x16200  }
0x94: {  	[tilespmem:s17], [sflag:$0x2] =	stream.indirect_vreg.gather [hbm4b:s3+s2], $0x80, v3, vm0, $0xb8;
	[tilespmem:$0x18200] =	vst v63  }
0x95: {  	s8 =	simm.s32 $0x16A00  }
0x96: {  	[tilespmem:s8], [sflag:$0x2] =	stream.indirect_vreg.gather [hbm4b:s5+s2], $0x80, v3, vm0, $0xb8;
	[tilespmem:$0x18200] =	vst v63  }
0x97: {  	s17 =	simm.s32 $0x17200  }
0x98: {  	[tilespmem:s17], [sflag:$0x2] =	stream.indirect_vreg.gather [hbm4b:s6+s2], $0x80, v3, vm0, $0xb8;
	[tilespmem:$0x18200] =	vst v63  }
0x99: {  	s0 =	simm.s32 $0x1;
	s8 =	simm.s32 $0x17A00  }
0x9a: {  	[tilespmem:s8], [sflag:$0x2] =	stream.indirect_vreg.gather [hbm4b:s7+s2], $0x80, v3, vm0, $0xb8;
	[tilespmem:$0x18200] =	vst v63  }
0x9b: {  	_ =	swait.ge [sflag:s0], $0xC000  }
0x9c: {  	[sflag:s0] =	ssyncset.done $0x0  }
0x9d: {  	s8 =	simm.s32 $0x200;
	s17 =	rddreg [dreg:$0x7];
	[sflag:s0] =	ssyncadd.s32 $0xFFFF4000  }
0x9e: {  	[hbm4b:s17+s2] =	stream.linear.scatter [tilespmem:s8], [sflag:$0x3], $0xC000, $0x38;
	[tilespmem:$0x18200] =	vst v63  }
0x9f: {  	_ =	swait.ge [sflag:s1], $0xC000  }
0xa0: {  	[sflag:s1] =	ssyncset.done $0x0  }
0xa1: {  	[sflag:s1] =	ssyncadd.s32 $0xFFFF4000  }
0xa2: {  	v3 =	vld [tilespmem:$0x100];
	_ =	sdelay $0x4  }
0xa3: {  	v58 =	vshll.u32 v3, $0x3  }
0xa4: {  	v3 =	vand.u32 $0x7, v3;
	v4 =	vand.u32 $0xFFFFFFC0, v58  }
0xa5: {  	v3 =	vor.u32 v3, v4  }
0xa6: {  	v4 =	vperm.xlane v3, v0;
	_ =	sdelay $0x1  }
0xa7: {  	v4 =	vadd.s32 v1, v4;
	_ =	sdelay $0x4  }
0xa8: {  	[tilespmem:s8], [sflag:$0x1] =	stream.indirect_vreg.gather [hbm4b:s3+s2], $0x80, v4, vm0, $0xb8;
	[tilespmem:$0x18200] =	vst v63  }
0xa9: {  	v3 =	vperm.xlane v3, v2  }
0xaa: {  	[tilespmem:s18], [sflag:$0x1] =	stream.indirect_vreg.gather [hbm4b:s5+s2], $0x80, v4, vm0, $0xb8;
	[tilespmem:$0x18200] =	vst v63  }
0xab: {  	v3 =	vadd.s32 v1, v3  }
0xac: {  	[tilespmem:s19], [sflag:$0x1] =	stream.indirect_vreg.gather [hbm4b:s6+s2], $0x80, v4, vm0, $0xb8;
	[tilespmem:$0x18200] =	vst v63  }
0xad: {  	_ = 	snop  }
0xae: {  	[tilespmem:s20], [sflag:$0x1] =	stream.indirect_vreg.gather [hbm4b:s7+s2], $0x80, v4, vm0, $0xb8;
	[tilespmem:$0x18200] =	vst v63  }
0xaf: {  	_ = 	snop  }
0xb0: {  	[tilespmem:s21], [sflag:$0x1] =	stream.indirect_vreg.gather [hbm4b:s3+s2], $0x80, v3, vm0, $0xb8;
	[tilespmem:$0x18200] =	vst v63  }
0xb1: {  	_ = 	snop  }
0xb2: {  	[tilespmem:s22], [sflag:$0x1] =	stream.indirect_vreg.gather [hbm4b:s5+s2], $0x80, v3, vm0, $0xb8;
	[tilespmem:$0x18200] =	vst v63  }
0xb3: {  	_ = 	snop  }
0xb4: {  	[tilespmem:s23], [sflag:$0x1] =	stream.indirect_vreg.gather [hbm4b:s6+s2], $0x80, v3, vm0, $0xb8;
	[tilespmem:$0x18200] =	vst v63  }
0xb5: {  	_ = 	snop  }
0xb6: {  	[tilespmem:s24], [sflag:$0x1] =	stream.indirect_vreg.gather [hbm4b:s7+s2], $0x80, v3, vm0, $0xb8;
	[tilespmem:$0x18200] =	vst v63  }
0xb7: {  	v3 =	vld [tilespmem:$0x110];
	_ =	sdelay $0x4  }
0xb8: {  	v59 =	vshll.u32 v3, $0x3  }
0xb9: {  	v3 =	vand.u32 $0x7, v3;
	v4 =	vand.u32 $0xFFFFFFC0, v59  }
0xba: {  	v3 =	vor.u32 v3, v4  }
0xbb: {  	v4 =	vperm.xlane v3, v0;
	_ =	sdelay $0x1  }
0xbc: {  	v4 =	vadd.s32 v1, v4;
	_ =	sdelay $0x4  }
0xbd: {  	[tilespmem:s25], [sflag:$0x1] =	stream.indirect_vreg.gather [hbm4b:s3+s2], $0x80, v4, vm0, $0xb8;
	[tilespmem:$0x18200] =	vst v63  }
0xbe: {  	v3 =	vperm.xlane v3, v2  }
0xbf: {  	[tilespmem:s26], [sflag:$0x1] =	stream.indirect_vreg.gather [hbm4b:s5+s2], $0x80, v4, vm0, $0xb8;
	[tilespmem:$0x18200] =	vst v63  }
0xc0: {  	v3 =	vadd.s32 v1, v3  }
0xc1: {  	[tilespmem:s28], [sflag:$0x1] =	stream.indirect_vreg.gather [hbm4b:s6+s2], $0x80, v4, vm0, $0xb8;
	[tilespmem:$0x18200] =	vst v63  }
0xc2: {  	_ = 	snop  }
0xc3: {  	[tilespmem:s29], [sflag:$0x1] =	stream.indirect_vreg.gather [hbm4b:s7+s2], $0x80, v4, vm0, $0xb8;
	[tilespmem:$0x18200] =	vst v63  }
0xc4: {  	_ = 	snop  }
0xc5: {  	[tilespmem:s30], [sflag:$0x1] =	stream.indirect_vreg.gather [hbm4b:s3+s2], $0x80, v3, vm0, $0xb8;
	[tilespmem:$0x18200] =	vst v63  }
0xc6: {  	_ = 	snop  }
0xc7: {  	[tilespmem:s31], [sflag:$0x1] =	stream.indirect_vreg.gather [hbm4b:s5+s2], $0x80, v3, vm0, $0xb8;
	[tilespmem:$0x18200] =	vst v63  }
0xc8: {  	s17 =	simm.s32 $0x7200  }
0xc9: {  	[tilespmem:s17], [sflag:$0x1] =	stream.indirect_vreg.gather [hbm4b:s6+s2], $0x80, v3, vm0, $0xb8;
	[tilespmem:$0x18200] =	vst v63  }
0xca: {  	s17 =	simm.s32 $0x7A00  }
0xcb: {  	[tilespmem:s17], [sflag:$0x1] =	stream.indirect_vreg.gather [hbm4b:s7+s2], $0x80, v3, vm0, $0xb8;
	[tilespmem:$0x18200] =	vst v63  }
0xcc: {  	v3 =	vld [tilespmem:$0x120];
	_ =	sdelay $0x4  }
0xcd: {  	v60 =	vshll.u32 v3, $0x3  }
0xce: {  	v3 =	vand.u32 $0x7, v3;
	v4 =	vand.u32 $0xFFFFFFC0, v60  }
0xcf: {  	v3 =	vor.u32 v3, v4  }
0xd0: {  	v4 =	vperm.xlane v3, v0;
	_ =	sdelay $0x1  }
0xd1: {  	v4 =	vadd.s32 v1, v4;
	_ =	sdelay $0x4  }
0xd2: {  	[tilespmem:s4], [sflag:$0x1] =	stream.indirect_vreg.gather [hbm4b:s3+s2], $0x80, v4, vm0, $0xb8;
	[tilespmem:$0x18200] =	vst v63  }
0xd3: {  	v3 =	vperm.xlane v3, v2  }
0xd4: {  	[tilespmem:s12], [sflag:$0x1] =	stream.indirect_vreg.gather [hbm4b:s5+s2], $0x80, v4, vm0, $0xb8;
	[tilespmem:$0x18200] =	vst v63  }
0xd5: {  	v3 =	vadd.s32 v1, v3  }
0xd6: {  	[tilespmem:s9], [sflag:$0x1] =	stream.indirect_vreg.gather [hbm4b:s6+s2], $0x80, v4, vm0, $0xb8;
	[tilespmem:$0x18200] =	vst v63  }
0xd7: {  	s8 =	simm.s32 $0x9A00  }
0xd8: {  	[tilespmem:s8], [sflag:$0x1] =	stream.indirect_vreg.gather [hbm4b:s7+s2], $0x80, v4, vm0, $0xb8;
	[tilespmem:$0x18200] =	vst v63  }
0xd9: {  	_ = 	snop  }
0xda: {  	[tilespmem:s11], [sflag:$0x1] =	stream.indirect_vreg.gather [hbm4b:s3+s2], $0x80, v3, vm0, $0xb8;
	[tilespmem:$0x18200] =	vst v63  }
0xdb: {  	_ = 	snop  }
0xdc: {  	[tilespmem:s13], [sflag:$0x1] =	stream.indirect_vreg.gather [hbm4b:s5+s2], $0x80, v3, vm0, $0xb8;
	[tilespmem:$0x18200] =	vst v63  }
0xdd: {  	_ = 	snop  }
0xde: {  	[tilespmem:s14], [sflag:$0x1] =	stream.indirect_vreg.gather [hbm4b:s6+s2], $0x80, v3, vm0, $0xb8;
	[tilespmem:$0x18200] =	vst v63  }
0xdf: {  	s4 =	simm.s32 $0x2  }
0xe0: {  	[tilespmem:s15], [sflag:$0x1] =	stream.indirect_vreg.gather [hbm4b:s7+s2], $0x80, v3, vm0, $0xb8;
	[tilespmem:$0x18200] =	vst v63  }
0xe1: {  	_ =	swait.ge [sflag:s4], $0xC000  }
0xe2: {  	[sflag:s4] =	ssyncset.done $0x0  }
0xe3: {  	s9 =	rddreg [dreg:$0x4];
	[sflag:s4] =	ssyncadd.s32 $0xFFFF4000  }
0xe4: {  	[hbm4b:s9+s2] =	stream.linear.scatter [tilespmem:s16], [sflag:$0x4], $0xC000, $0x38;
	[tilespmem:$0x18200] =	vst v63  }
0xe5: {  	s9 =	simm.s32 $0x4  }
0xe6: {  	_ =	swait.ge [sflag:s9], $0xC000  }
0xe7: {  	[sflag:s9] =	ssyncset.done $0x0  }
0xe8: {  	[sflag:s9] =	ssyncadd.s32 $0xFFFF4000  }
0xe9: {  	v3 =	vld [tilespmem:$0x180];
	_ =	sdelay $0x4  }
0xea: {  	v61 =	vshll.u32 v3, $0x3  }
0xeb: {  	v3 =	vand.u32 $0x7, v3;
	v4 =	vand.u32 $0xFFFFFFC0, v61  }
0xec: {  	v3 =	vor.u32 v3, v4  }
0xed: {  	v4 =	vperm.xlane v3, v0;
	_ =	sdelay $0x1  }
0xee: {  	v4 =	vadd.s32 v1, v4;
	_ =	sdelay $0x4  }
0xef: {  	[tilespmem:s16], [sflag:$0x2] =	stream.indirect_vreg.gather [hbm4b:s3+s2], $0x80, v4, vm0, $0xb8;
	[tilespmem:$0x18200] =	vst v63  }
0xf0: {  	s17 =	simm.s32 $0xCA00;
	v3 =	vperm.xlane v3, v2  }
0xf1: {  	[tilespmem:s17], [sflag:$0x2] =	stream.indirect_vreg.gather [hbm4b:s5+s2], $0x80, v4, vm0, $0xb8;
	[tilespmem:$0x18200] =	vst v63  }
0xf2: {  	v3 =	vadd.s32 v1, v3;
	s17 =	simm.s32 $0xD200  }
0xf3: {  	[tilespmem:s17], [sflag:$0x2] =	stream.indirect_vreg.gather [hbm4b:s6+s2], $0x80, v4, vm0, $0xb8;
	[tilespmem:$0x18200] =	vst v63  }
0xf4: {  	s17 =	simm.s32 $0xDA00  }
0xf5: {  	[tilespmem:s17], [sflag:$0x2] =	stream.indirect_vreg.gather [hbm4b:s7+s2], $0x80, v4, vm0, $0xb8;
	[tilespmem:$0x18200] =	vst v63  }
0xf6: {  	s17 =	simm.s32 $0xE200  }
0xf7: {  	[tilespmem:s17], [sflag:$0x2] =	stream.indirect_vreg.gather [hbm4b:s3+s2], $0x80, v3, vm0, $0xb8;
	[tilespmem:$0x18200] =	vst v63  }
0xf8: {  	s17 =	simm.s32 $0xEA00  }
0xf9: {  	[tilespmem:s17], [sflag:$0x2] =	stream.indirect_vreg.gather [hbm4b:s5+s2], $0x80, v3, vm0, $0xb8;
	[tilespmem:$0x18200] =	vst v63  }
0xfa: {  	s17 =	simm.s32 $0xF200  }
0xfb: {  	[tilespmem:s17], [sflag:$0x2] =	stream.indirect_vreg.gather [hbm4b:s6+s2], $0x80, v3, vm0, $0xb8;
	[tilespmem:$0x18200] =	vst v63  }
0xfc: {  	s17 =	simm.s32 $0xFA00  }
0xfd: {  	[tilespmem:s17], [sflag:$0x2] =	stream.indirect_vreg.gather [hbm4b:s7+s2], $0x80, v3, vm0, $0xb8;
	[tilespmem:$0x18200] =	vst v63  }
0xfe: {  	v3 =	vld [tilespmem:$0x190];
	_ =	sdelay $0x4  }
0xff: {  	v62 =	vshll.u32 v3, $0x3  }
0x100: {  	v3 =	vand.u32 $0x7, v3;
	v4 =	vand.u32 $0xFFFFFFC0, v62  }
0x101: {  	v3 =	vor.u32 v3, v4  }
0x102: {  	v4 =	vperm.xlane v3, v0;
	_ =	sdelay $0x1  }
0x103: {  	v4 =	vadd.s32 v1, v4;
	_ =	sdelay $0x3  }
0x104: {  	s17 =	simm.s32 $0x10200  }
0x105: {  	[tilespmem:s17], [sflag:$0x2] =	stream.indirect_vreg.gather [hbm4b:s3+s2], $0x80, v4, vm0, $0xb8;
	[tilespmem:$0x18200] =	vst v63  }
0x106: {  	v3 =	vperm.xlane v3, v2;
	s17 =	simm.s32 $0x10A00  }
0x107: {  	[tilespmem:s17], [sflag:$0x2] =	stream.indirect_vreg.gather [hbm4b:s5+s2], $0x80, v4, vm0, $0xb8;
	[tilespmem:$0x18200] =	vst v63  }
0x108: {  	v3 =	vadd.s32 v1, v3;
	s17 =	simm.s32 $0x11200  }
0x109: {  	[tilespmem:s17], [sflag:$0x2] =	stream.indirect_vreg.gather [hbm4b:s6+s2], $0x80, v4, vm0, $0xb8;
	[tilespmem:$0x18200] =	vst v63  }
0x10a: {  	s17 =	simm.s32 $0x11A00  }
0x10b: {  	[tilespmem:s17], [sflag:$0x2] =	stream.indirect_vreg.gather [hbm4b:s7+s2], $0x80, v4, vm0, $0xb8;
	[tilespmem:$0x18200] =	vst v63  }
0x10c: {  	s17 =	simm.s32 $0x12200  }
0x10d: {  	[tilespmem:s17], [sflag:$0x2] =	stream.indirect_vreg.gather [hbm4b:s3+s2], $0x80, v3, vm0, $0xb8;
	[tilespmem:$0x18200] =	vst v63  }
0x10e: {  	s17 =	simm.s32 $0x12A00  }
0x10f: {  	[tilespmem:s17], [sflag:$0x2] =	stream.indirect_vreg.gather [hbm4b:s5+s2], $0x80, v3, vm0, $0xb8;
	[tilespmem:$0x18200] =	vst v63  }
0x110: {  	s17 =	simm.s32 $0x13200  }
0x111: {  	[tilespmem:s17], [sflag:$0x2] =	stream.indirect_vreg.gather [hbm4b:s6+s2], $0x80, v3, vm0, $0xb8;
	[tilespmem:$0x18200] =	vst v63  }
0x112: {  	s17 =	simm.s32 $0x13A00  }
0x113: {  	[tilespmem:s17], [sflag:$0x2] =	stream.indirect_vreg.gather [hbm4b:s7+s2], $0x80, v3, vm0, $0xb8;
	[tilespmem:$0x18200] =	vst v63  }
0x114: {  	v3 =	vld [tilespmem:$0x1A0];
	_ =	sdelay $0x4  }
0x115: {  	v63 =	vshll.u32 v3, $0x3  }
0x116: {  	v3 =	vand.u32 $0x7, v3;
	v4 =	vand.u32 $0xFFFFFFC0, v63  }
0x117: {  	v3 =	vor.u32 v3, v4  }
0x118: {  	v4 =	vperm.xlane v3, v0;
	_ =	sdelay $0x1  }
0x119: {  	v4 =	vadd.s32 v1, v4;
	_ =	sdelay $0x3  }
0x11a: {  	s17 =	simm.s32 $0x14200  }
0x11b: {  	[tilespmem:s17], [sflag:$0x2] =	stream.indirect_vreg.gather [hbm4b:s3+s2], $0x80, v4, vm0, $0xb8;
	[tilespmem:$0x18200] =	vst v63  }
0x11c: {  	v3 =	vperm.xlane v3, v2;
	s17 =	simm.s32 $0x14A00  }
0x11d: {  	[tilespmem:s17], [sflag:$0x2] =	stream.indirect_vreg.gather [hbm4b:s5+s2], $0x80, v4, vm0, $0xb8;
	[tilespmem:$0x18200] =	vst v63  }
0x11e: {  	v3 =	vadd.s32 v1, v3;
	s17 =	simm.s32 $0x15200  }
0x11f: {  	[tilespmem:s17], [sflag:$0x2] =	stream.indirect_vreg.gather [hbm4b:s6+s2], $0x80, v4, vm0, $0xb8;
	[tilespmem:$0x18200] =	vst v63  }
0x120: {  	s17 =	simm.s32 $0x15A00  }
0x121: {  	[tilespmem:s17], [sflag:$0x2] =	stream.indirect_vreg.gather [hbm4b:s7+s2], $0x80, v4, vm0, $0xb8;
	[tilespmem:$0x18200] =	vst v63  }
0x122: {  	s17 =	simm.s32 $0x16200  }
0x123: {  	[tilespmem:s17], [sflag:$0x2] =	stream.indirect_vreg.gather [hbm4b:s3+s2], $0x80, v3, vm0, $0xb8;
	[tilespmem:$0x18200] =	vst v63  }
0x124: {  	s17 =	simm.s32 $0x16A00  }
0x125: {  	[tilespmem:s17], [sflag:$0x2] =	stream.indirect_vreg.gather [hbm4b:s5+s2], $0x80, v3, vm0, $0xb8;
	[tilespmem:$0x18200] =	vst v63  }
0x126: {  	s17 =	simm.s32 $0x17200  }
0x127: {  	[tilespmem:s17], [sflag:$0x2] =	stream.indirect_vreg.gather [hbm4b:s6+s2], $0x80, v3, vm0, $0xb8;
	[tilespmem:$0x18200] =	vst v63  }
0x128: {  	s17 =	simm.s32 $0x17A00  }
0x129: {  	[tilespmem:s17], [sflag:$0x2] =	stream.indirect_vreg.gather [hbm4b:s7+s2], $0x80, v3, vm0, $0xb8;
	[tilespmem:$0x18200] =	vst v63  }
0x12a: {  	_ =	swait.ge [sflag:s0], $0xC000  }
0x12b: {  	[sflag:s0] =	ssyncset.done $0x0  }
0x12c: {  	s8 =	simm.s32 $0x200;
	s17 =	rddreg [dreg:$0x5];
	[sflag:s0] =	ssyncadd.s32 $0xFFFF4000  }
0x12d: {  	[hbm4b:s17+s2] =	stream.linear.scatter [tilespmem:s8], [sflag:$0x3], $0xC000, $0x38;
	[tilespmem:$0x18200] =	vst v63  }
0x12e: {  	_ =	swait.ge [sflag:s4], $0xC000  }
0x12f: {  	[sflag:s4] =	ssyncset.done $0x0  }
0x130: {  	s8 =	rddreg [dreg:$0x6];
	[sflag:s4] =	ssyncadd.s32 $0xFFFF4000  }
0x131: {  	[hbm4b:s8+s2] =	stream.linear.scatter [tilespmem:s16], [sflag:$0x4], $0xC000, $0x38;
	[tilespmem:$0x18200] =	vst v63  }
0x132: {  	p0 =	sne.s32 s10, $0x1;
	_ =	swait.ge [sflag:s1], $0xC000  }
.Ltmp0:
0x133: {  	[sflag:s1] =	ssyncset.done $0x0;
	(pc) =	sbr.rel @p0 .LBB2_1-.Ltmp0, $4  }
0x134: {  	[sflag:s1] =	ssyncadd.s32 $0xFFFF4000  }
0x135: {  	_ =	swait.ge [sflag:s9], $0xC000  }
0x136: {  	[sflag:s9] =	ssyncset.done $0x0  }
0x137: {  	s10 =	sadd.s32 $0xFFFFFFFF, s10;
	[sflag:s9] =	ssyncadd.s32 $0xFFFF4000  }
0x138: {  	_ =	sfence.sel $0x180000  }
0x139: {  	[bflag:$0x0] =	sbarrier.arrive $0xFFFF  }
0x13a: {  	_ =	strace $0x9000004A  }
0x13b: {  	s0 =	stileid.u32;
	[bflag:$0x2] =	sbarrier.arrive $0xFFFF  }
0x13c: {  	p0 =	sne.s32 s0, $0x0;
	s0 =	rddreg [dreg:$0x2]  }
0x13d: {  	s0 =	sadd.s32 @!p0 $0x100000, s0  }
0x13e: {  	[sflag:s0] =	ssyncadd.tile.s32 @!p0 $0x1;
	_ =	shalt  }
.Lfunc_end2:
_tile_overlayer_lowered:
.L_overlay_start_2:
0x13f: {  	(tag) =	ssettag $0x2  }
0x140: {  	s0 =	rddreg [dreg:$0x0];
	s2 =	stileid.u32  }
0x141: {  	s1 =	rddreg [dreg:$0x1];
	p0 =	sne.s32 s2, $0x0  }
0x142: {  	s3 =	rddreg [dreg:$0x2];
	[bflag:$0x3] =	sbarrier.arrive $0xFFFF;
	s2 =	simm.s32 @!p0 $0x1C05  }
0x143: {  	[timem:s3], [sflag:s2] =	dma.local @!p0 [hbm:s0], s1  }
0x144: {  	s0 =	simm.s32 @!p0 $0x5  }
0x145: {  	_ =	swait.ge @!p0 [sflag:s0], s1  }
0x146: {  	s1 =	ssub.s32 @!p0 $0x0, s1;
	[sflag:s0] =	ssyncset.done @!p0 $0x0  }
0x147: {  	[sflag:s0] =	ssyncadd.s32 @!p0 s1  }
0x148: {  	[bflag:$0x3] =	sbarrier.arrive $0xFFFF  }
0x149: {  	_ =	shalt  }

// kernel: kernel.9.cloned.1.call-start
scs
__scs_entry_jumppad:
0x0: {  	(pc) =	sbr.rel $0x88, $3  }
0x1: {  	(tag) =	ssettag $0x0;
	lr =	simm.s32 $0x1  }
0x2: {  	[smem:$0x3F95] =	sst lr;
	_ =	strace $0xD0000000  }
0x3: {  	_ = 	snop  }
0x4: {  	_ = 	snop  }
0x5: {  	_ = 	snop  }
0x6: {  	_ = 	snop  }
0x7: {  	_ = 	snop  }
__scs_overlays_trampoline_lowered:
0x8: {  	[smem:$0x3FA4] =	sst s0  }
0x9: {  	[smem:$0x3FA5] =	sst s1  }
0xa: {  	[smem:$0x3FA6] =	sst s2  }
0xb: {  	[smem:$0x3FA7] =	sst s3  }
0xc: {  	[smem:$0x3FA8] =	sst s4  }
0xd: {  	[smem:$0x3FA9] =	sst s5  }
0xe: {  	[smem:$0x3FAA] =	sst s6  }
0xf: {  	[smem:$0x3FAB] =	sst s7  }
0x10: {  	[smem:$0x3FAC] =	sst s8  }
0x11: {  	[smem:$0x3FAD] =	sst s9;
	s0 =	simm.s32 @!p0 $0x0  }
0x12: {  	s1 =	sld [smem:$0x3F93];
	s0 =	simm.s32 @p0 $0x1  }
0x13: {  	[smem:$0x3FAE] =	sst s0;
	s0 =	simm.s32 @!p1 $0x0  }
0x14: {  	s2 =	sld [smem:$0x3F92];
	s0 =	simm.s32 @p1 $0x1  }
0x15: {  	[smem:$0x3FAF] =	sst s0;
	s0 =	simm.s32 @!p2 $0x0  }
0x16: {  	s3 =	sld [smem:$0x3FDB];
	s0 =	simm.s32 @p2 $0x1  }
0x17: {  	s4 =	simm.s32 $0x1BF5;
	[smem:$0x3FB1] =	sst s0  }
0x18: {  	s0 =	sld [smem:$0x3F94];
	_ =	swait.ge [sflag:s4], $0x0  }
0x19: {  	s7 =	sld [smem:$0x3F95]  }
0x1a: {  	s8 =	sadd.s32 $0xFFFFE003, lr  }
0x1b: {  	s9 =	sadd.s32 $0xFFFFFEF7, lr;
	s5 =	simm.s32 $0xFFFFFFFF;
	p2 =	slt.u32 s8, $0xFFFFF086  }
0x1c: {  	p1 =	slt.u32 s9, $0xF7A;
	s5 =	simm.s32 @!p2 $0x0  }
0x1d: {  	s5 =	simm.s32 @p1 $0x1;
	p0 =	seq.s32 s7, s2  }
0x1e: {  	s7 =	smul.u32 @!p0 $0xF7A, s2;
	p2 =	seq.s32 @!p0 s5, $0x0  }
0x1f: {  	s9 =	smul.u32 $0xF7A, s1;
	s8 =	simm.s32 @!p0 $0x1BF5;
	p2 =	por !p2, p0  }
0x20: {  	[sflag:s8] =	ssyncset.s32 @!p0 $0xFFFFF086;
	s6 =	sadd.s32 @!p0 s3, s7;
	s7 =	simm.s32 @!p0 $0x108  }
0x21: {  	s3 =	sadd.s32 s3, s9;
	s6 =	sadd.s32 @!p0 $0x88, s6;
	s7 =	simm.s32 @p2 $0x1082  }
0x22: {  	[simem:s7], [sflag:s8] =	dma.local @!p0 [hbm:s6], $0xF7A  }
0x23: {  	s9 =	sor.u32 $0xD0000000, s2;
	s6 =	simm.s32 $0x108;
	_ =	swait.ge @!p0 [sflag:s8], $0x0  }
0x24: {  	s3 =	sadd.s32 $0x88, s3;
	s6 =	simm.s32 @!p1 $0x1082;
	[sflag:s4] =	ssyncset.s32 $0xFFFFF086  }
0x25: {  	[simem:s6], [sflag:s4] =	dma.local [hbm:s3], $0xF7A  }
0x26: {  	[smem:$0x3F95] =	sst s1;
	(tag) =	ssettag s2;
	_ =	strace s9  }
0x27: {  	s1 =	sld [smem:$0x3FA5]  }
0x28: {  	s2 =	sld [smem:$0x3FA6]  }
0x29: {  	s4 =	sld [smem:$0x3FA8]  }
0x2a: {  	p0 =	seq.s32 s5, $0x0;
	s5 =	sld [smem:$0x3FA9]  }
0x2b: {  	s6 =	sld [smem:$0x3FAA]  }
0x2c: {  	s7 =	sld [smem:$0x3FAB]  }
0x2d: {  	s3 =	simm.s32 $0x108;
	s8 =	sld [smem:$0x3FAC]  }
0x2e: {  	s3 =	simm.s32 @!p0 $0x1082;
	s9 =	sld [smem:$0x3FAD]  }
0x2f: {  	lr =	sadd.s32 s0, s3;
	s0 =	sld [smem:$0x3FA4]  }
0x30: {  	s3 =	sld [smem:$0x3FA7]  }
0x31: {  	[smem:$0x3FB0] =	sst s10  }
0x32: {  	s10 =	sld [smem:$0x3FAE];
	_ =	sdelay $0x3  }
0x33: {  	p0 =	seq.s32 s10, $0x1;
	s10 =	sld [smem:$0x3FB0];
	_ =	sdelay $0x3  }
0x34: {  	[smem:$0x3FB0] =	sst s10  }
0x35: {  	s10 =	sld [smem:$0x3FAF];
	_ =	sdelay $0x3  }
0x36: {  	p1 =	seq.s32 s10, $0x1;
	s10 =	sld [smem:$0x3FB0];
	_ =	sdelay $0x3  }
0x37: {  	[smem:$0x3FB0] =	sst s10  }
0x38: {  	s10 =	sld [smem:$0x3FB1]  }
0x39: {  	_ = 	snop;
	(pc) =	sbr.ind lr, $3  }
0x3a: {  	_ = 	snop  }
0x3b: {  	_ = 	snop  }
0x3c: {  	p2 =	seq.s32 s10, $0x1;
	s10 =	sld [smem:$0x3FB0]  }
0x3d: {  	_ =	shalt  }
0x3e: {  	_ =	shalt  }
0x3f: {  	_ =	shalt  }
0x40: {  	_ =	shalt  }
0x41: {  	_ =	shalt  }
0x42: {  	_ =	shalt  }
0x43: {  	_ =	shalt  }
0x44: {  	_ =	shalt  }
0x45: {  	_ =	shalt  }
0x46: {  	_ =	shalt  }
0x47: {  	_ =	shalt  }
0x48: {  	_ =	shalt  }
0x49: {  	_ =	shalt  }
0x4a: {  	_ =	shalt  }
0x4b: {  	_ =	shalt  }
0x4c: {  	_ =	shalt  }
0x4d: {  	_ =	shalt  }
0x4e: {  	_ =	shalt  }
0x4f: {  	_ =	shalt  }
0x50: {  	_ =	shalt  }
0x51: {  	_ =	shalt  }
0x52: {  	_ =	shalt  }
0x53: {  	_ =	shalt  }
0x54: {  	_ =	shalt  }
0x55: {  	_ =	shalt  }
0x56: {  	_ =	shalt  }
0x57: {  	_ =	shalt  }
0x58: {  	_ =	shalt  }
0x59: {  	_ =	shalt  }
0x5a: {  	_ =	shalt  }
0x5b: {  	_ =	shalt  }
0x5c: {  	_ =	shalt  }
0x5d: {  	_ =	shalt  }
0x5e: {  	_ =	shalt  }
0x5f: {  	_ =	shalt  }
0x60: {  	_ =	shalt  }
0x61: {  	_ =	shalt  }
0x62: {  	_ =	shalt  }
0x63: {  	_ =	shalt  }
0x64: {  	_ =	shalt  }
0x65: {  	_ =	shalt  }
0x66: {  	_ =	shalt  }
0x67: {  	_ =	shalt  }
0x68: {  	_ =	shalt  }
0x69: {  	_ =	shalt  }
0x6a: {  	_ =	shalt  }
0x6b: {  	_ =	shalt  }
0x6c: {  	_ =	shalt  }
0x6d: {  	_ =	shalt  }
0x6e: {  	_ =	shalt  }
0x6f: {  	_ =	shalt  }
0x70: {  	_ =	shalt  }
0x71: {  	_ =	shalt  }
0x72: {  	_ =	shalt  }
0x73: {  	_ =	shalt  }
0x74: {  	_ =	shalt  }
0x75: {  	_ =	shalt  }
0x76: {  	_ =	shalt  }
0x77: {  	_ =	shalt  }
0x78: {  	_ =	shalt  }
0x79: {  	_ =	shalt  }
0x7a: {  	_ =	shalt  }
0x7b: {  	_ =	shalt  }
0x7c: {  	_ =	shalt  }
0x7d: {  	_ =	shalt  }
0x7e: {  	_ =	shalt  }
0x7f: {  	_ =	shalt  }
0x80: {  	_ =	shalt  }
0x81: {  	_ =	shalt  }
0x82: {  	_ =	shalt  }
0x83: {  	_ =	shalt  }
0x84: {  	_ =	shalt  }
0x85: {  	_ =	shalt  }
0x86: {  	_ =	shalt  }
0x87: {  	_ =	shalt  }
.Lfunc_end0:
.L_simem_size_0:
called_computation.2_lowered:
.L_overlay_start_0:
0x88: {  	s2 =	sld [smem:$0x3FD9]  }
0x89: {  	s3 =	sld [smem:$0x3FFE];
	_ =	sdelay $0x1  }
0x8a: {  	s1 =	srdreg.scid  }
0x8b: {  	s0 =	sand.u32 $0x1, s1  }
0x8c: {  	s17 =	sshll.u32 s0, $0xA;
	s2 =	sadd.s32 s3, s2  }
0x8d: {  	s2 =	sadd.s32 s2, s17  }
0x8e: {  	[smem:$0x3FBC] =	sst s2  }
0x8f: {  	_ = 	snop  }
0x90: {  	s2 =	sld [smem:$0x3FD0];
	(tm) =	ssettm $0x1  }
0x91: {  	s18 =	sld [smem:$0x3FFB];
	_ =	sdelay $0x3  }
0x92: {  	_ =	strace s18  }
0x93: {  	s3 =	sld [smem:$0x3FFC];
	_ =	sdelay $0x3  }
0x94: {  	_ =	strace s3  }
0x95: {  	s3 =	sld [smem:$0x3FFD];
	_ =	sdelay $0x3  }
0x96: {  	_ =	strace s3  }
0x97: {  	_ =	strace $0x8FFFFFFF  }
0x98: {  	s19 =	sld [smem:$0x3FDB];
	_ =	sdelay $0x1  }
0x99: {  	s4 =	simm.s32 $_scs_section_size  }
0x9a: {  	s5 =	simm.s32 $_size__tile_overlayer_lowered;
	s6 =	simm.s32 $_tile_overlayer_lowered  }
0x9b: {  	s22 =	simm.s32 $0x1BFF;
	s21 =	sshll.u32 s6, $0x1;
	s3 =	sadd.s32 s4, s19  }
0x9c: {  	s7 =	simm.s32 $0x0;
	s20 =	sshll.u32 s5, $0x1;
	s5 =	sadd.s32 s21, s3  }
0x9d: {  	[timem:s7], [sflag:s22] =	dma.local [hbm:s5], s20  }
0x9e: {  	_ =	swait.ge [sflag:s22], s20  }
0x9f: {  	s4 =	ssub.s32 $0x0, s20;
	[sflag:s22] =	ssyncset.done $0x0  }
0xa0: {  	[sflag:s22] =	ssyncadd.s32 s4;
	_ =	sdelay $0x1  }
0xa1: {  	s23 =	simm.s32 $0x1B8B  }
0xa2: {  	_ =	swait.ge [sflag:s23], $0x1  }
0xa3: {  	[sflag:s23] =	ssyncset.done $0x0  }
0xa4: {  	s25 =	simm.s32 $0x1B8E;
	s24 =	sld [smem:$0x3FFE];
	[sflag:s23] =	ssyncadd.s32 $0xFFFFFFFF  }
0xa5: {  	s26 =	simm.s32 $execute0_lowered;
	[smem:$0x3FD2] =	sst s25  }
0xa6: {  	s5 =	sshll.u32 s26, $0x1;
	_ =	strace $0x8000004C;
	[dreg:$0x1] =	wrdreg $0xFFFFFFFF  }
0xa7: {  	s28 =	simm.s32 $_size_execute0_lowered;
	s3 =	sadd.s32 s3, s5;
	[dreg:$0x0] =	wrdreg $0x0  }
0xa8: {  	s5 =	sshll.u32 s28, $0x1;
	[dreg:$0x2] =	wrdreg s3  }
0xa9: {  	[dreg:$0x3] =	wrdreg s5  }
0xaa: {  	[dreg:$0x4] =	wrdreg $0xC0  }
0xab: {  	_ =	task [dreg:s7], $0x5FFFF  }
0xac: {  	[dreg:$0x1] =	wrdreg $0xFFFFFFFF  }
0xad: {  	[dreg:$0x0] =	wrdreg $0x60  }
0xae: {  	[dreg:$0x2] =	wrdreg s24  }
0xaf: {  	[dreg:$0x3] =	wrdreg s2  }
0xb0: {  	[dreg:$0x4] =	wrdreg $0x9  }
0xb1: {  	_ =	task.clear_ibuf [dreg:s7], $0x5FFFF;
	_ =	strace $0x9000004C  }
0xb2: {  	s29 =	simm.s32 $0x9;
	_ =	strace $0x8000004E  }
0xb3: {  	_ =	swait.ge [sflag:s29], $0x1  }
0xb4: {  	[sflag:s29] =	ssyncadd.s32 $0xFFFFFFFF  }
0xb5: {  	_ =	strace $0x9000004E  }
0xb6: {  	_ =	sfence  }
0xb7: {  	s30 =	sld [smem:$0x0];
	_ =	sdelay $0x2  }
0xb8: {  	s31 =	sshll.u32 s1, $0xD;
	s1 =	sshrl.u32 s1, $0x2  }
0xb9: {  	s3 =	sand.u32 $0x4000, s31;
	s1 =	sadd.s32 s1, s30  }
0xba: {  	s0 =	sor.u32 s3, s0;
	s1 =	sshll.u32 s1, $0x11  }
0xbb: {  	s0 =	sor.u32 s1, s0  }
0xbc: {  	s0 =	sadd.s32 $0x8F2B, s0  }
0xbd: {  	[sflag:s0] =	ssyncadd.remote.s32 $0x1  }
0xbe: {  	_ =	sfence.sel $0xFFFF  }
0xbf: {  	[dreg:$0x0] =	wrdreg $0xFFFFFFFF;
	(pc) =	sbr.abs _section_cstart, $3  }
0xc0: {  	[dreg:$0x1] =	wrdreg $0xFFFFFFFF  }
0xc1: {  	_ =	task.clear_ibuf [dreg:s7], $0x2FFFF;
	_ =	strace $0x9FFFFFFF  }
0xc2: {  	(tm) =	ssettm $0x7FFFFFFF  }
0xc3: {  	_ =	shalt  }
tec
execute0_lowered:
.L_overlay_start_1:
0x0: {  	(tag) =	ssettag $0x1  }
0x1: {  	s4 =	rddreg [dreg:$0x0]  }
0x2: {  	s5 =	rddreg [dreg:$0x1];
	s2 =	srdreg.scid  }
0x3: {  	s0 =	rddreg [dreg:$0x2];
	s1 =	stileid.u32  }
0x4: {  	s9 =	simm.s32 $0x880;
	s10 =	simm.s32 $0x1080;
	s11 =	simm.s32 $0x1880  }
0x5: {  	s12 =	simm.s32 $0x2080;
	s13 =	simm.s32 $0x2880;
	s14 =	simm.s32 $0x3080  }
0x6: {  	s15 =	simm.s32 $0x3880;
	s16 =	simm.s32 $0x4080;
	s17 =	simm.s32 $0x4880  }
0x7: {  	s18 =	simm.s32 $0x5080;
	s19 =	simm.s32 $0x5880;
	s20 =	simm.s32 $0x6080  }
0x8: {  	s21 =	simm.s32 $0x6880;
	s22 =	simm.s32 $0x7080;
	s23 =	simm.s32 $0x7880  }
0x9: {  	s24 =	simm.s32 $0x1;
	s25 =	simm.s32 $0x2;
	s3 =	sand.u32 $0x1, s2  }
0xa: {  	s2 =	simm.s32 $0x0;
	s6 =	sshll.u32 s1, $0x8;
	s7 =	sshll.u32 s3, $0x7  }
0xb: {  	[smem:$0x7FF] =	sst s2;
	s8 =	ssub.s32 $0x2, s3;
	s6 =	sor.u32 s7, s6  }
0xc: {  	s3 =	sadd.s32 $0x2200, s4;
	_ =	strace $0x8000004D;
	s7 =	sshrl.u32 s6, $0x3  }
0xd: {  	v2 =	vlaneseq.u32;
	s31 =	sshrl.u32 s8, $0x1;
	s6 =	sshll.u32 s6, $0x5;
	s4 =	sadd.s32 s7, s4  }
0xe: {  	vm0 =	vmmov $0xffff;
	v1 =	vshrl.u32 v2, $0x3;
	s7 =	ssub.s32 s8, s31;
	s5 =	sadd.s32 s5, s6;
	s8 =	simm.s32 $0x80  }
0xf: {  	v0 =	vand.u32 $0x7, v2;
	v2 =	vor.u32 $0x8, v2;
	v1 =	vmul.u32 $0x8, v1;
	s4 =	sadd.s32 $0x2000, s4;
	s6 =	smax.u32 s7, $0x1;
	s7 =	simm.s32 $0x3  }
.LBB2_1:
0x10: {  	[tilespmem:s2], [sflag:$0x3] =	stream.linear.gather [hbm4b:s4+s2], $0x80, $0x38;
	[tilespmem:$0x8080] =	vst v63  }
0x11: {  	_ =	swait.ge [sflag:s7], $0x80  }
0x12: {  	[sflag:s7] =	ssyncset.done $0x0  }
0x13: {  	[sflag:s7] =	ssyncadd.s32 $0xFFFFFF80  }
0x14: {  	v3 =	vld [tilespmem:$0x0];
	_ =	sdelay $0x4  }
0x15: {  	v4 =	vshll.u32 v3, $0x1  }
0x16: {  	v3 =	vand.u32 $0x7, v3;
	v4 =	vand.u32 $0xFFFFFFF0, v4  }
0x17: {  	v3 =	vor.u32 v3, v4  }
0x18: {  	v4 =	vperm.xlane v3, v0;
	_ =	sdelay $0x1  }
0x19: {  	v3 =	vperm.xlane v3, v2;
	v4 =	vadd.s32 v1, v4;
	_ =	sdelay $0x1  }
0x1a: {  	v3 =	vadd.s32 v1, v3;
	_ =	sdelay $0x2  }
0x1b: {  	[tilespmem:s8], [sflag:$0x1] =	stream.indirect_vreg.gather [hbm4b:s3+s2], $0x80, v4, vm0, $0xb8;
	[tilespmem:$0x8080] =	vst v63  }
0x1c: {  	_ = 	snop  }
0x1d: {  	[tilespmem:s9], [sflag:$0x1] =	stream.indirect_vreg.gather [hbm4b:s3+s2], $0x80, v3, vm0, $0xb8;
	[tilespmem:$0x8080] =	vst v63  }
0x1e: {  	v3 =	vld [tilespmem:$0x10];
	_ =	sdelay $0x4  }
0x1f: {  	v57 =	vshll.u32 v3, $0x1  }
0x20: {  	v3 =	vand.u32 $0x7, v3;
	v4 =	vand.u32 $0xFFFFFFF0, v57  }
0x21: {  	v3 =	vor.u32 v3, v4  }
0x22: {  	v4 =	vperm.xlane v3, v0;
	_ =	sdelay $0x1  }
0x23: {  	v3 =	vperm.xlane v3, v2;
	v4 =	vadd.s32 v1, v4;
	_ =	sdelay $0x1  }
0x24: {  	v3 =	vadd.s32 v1, v3;
	_ =	sdelay $0x2  }
0x25: {  	[tilespmem:s10], [sflag:$0x1] =	stream.indirect_vreg.gather [hbm4b:s3+s2], $0x80, v4, vm0, $0xb8;
	[tilespmem:$0x8080] =	vst v63  }
0x26: {  	_ = 	snop  }
0x27: {  	[tilespmem:s11], [sflag:$0x1] =	stream.indirect_vreg.gather [hbm4b:s3+s2], $0x80, v3, vm0, $0xb8;
	[tilespmem:$0x8080] =	vst v63  }
0x28: {  	v3 =	vld [tilespmem:$0x20];
	_ =	sdelay $0x4  }
0x29: {  	v58 =	vshll.u32 v3, $0x1  }
0x2a: {  	v3 =	vand.u32 $0x7, v3;
	v4 =	vand.u32 $0xFFFFFFF0, v58  }
0x2b: {  	v3 =	vor.u32 v3, v4  }
0x2c: {  	v4 =	vperm.xlane v3, v0;
	_ =	sdelay $0x1  }
0x2d: {  	v3 =	vperm.xlane v3, v2;
	v4 =	vadd.s32 v1, v4;
	_ =	sdelay $0x1  }
0x2e: {  	v3 =	vadd.s32 v1, v3;
	_ =	sdelay $0x2  }
0x2f: {  	[tilespmem:s12], [sflag:$0x1] =	stream.indirect_vreg.gather [hbm4b:s3+s2], $0x80, v4, vm0, $0xb8;
	[tilespmem:$0x8080] =	vst v63  }
0x30: {  	_ = 	snop  }
0x31: {  	[tilespmem:s13], [sflag:$0x1] =	stream.indirect_vreg.gather [hbm4b:s3+s2], $0x80, v3, vm0, $0xb8;
	[tilespmem:$0x8080] =	vst v63  }
0x32: {  	v3 =	vld [tilespmem:$0x30];
	_ =	sdelay $0x4  }
0x33: {  	v59 =	vshll.u32 v3, $0x1  }
0x34: {  	v3 =	vand.u32 $0x7, v3;
	v4 =	vand.u32 $0xFFFFFFF0, v59  }
0x35: {  	v3 =	vor.u32 v3, v4  }
0x36: {  	v4 =	vperm.xlane v3, v0;
	_ =	sdelay $0x1  }
0x37: {  	v3 =	vperm.xlane v3, v2;
	v4 =	vadd.s32 v1, v4;
	_ =	sdelay $0x1  }
0x38: {  	v3 =	vadd.s32 v1, v3;
	_ =	sdelay $0x2  }
0x39: {  	[tilespmem:s14], [sflag:$0x1] =	stream.indirect_vreg.gather [hbm4b:s3+s2], $0x80, v4, vm0, $0xb8;
	[tilespmem:$0x8080] =	vst v63  }
0x3a: {  	_ = 	snop  }
0x3b: {  	[tilespmem:s15], [sflag:$0x1] =	stream.indirect_vreg.gather [hbm4b:s3+s2], $0x80, v3, vm0, $0xb8;
	[tilespmem:$0x8080] =	vst v63  }
0x3c: {  	v3 =	vld [tilespmem:$0x40];
	_ =	sdelay $0x4  }
0x3d: {  	v60 =	vshll.u32 v3, $0x1  }
0x3e: {  	v3 =	vand.u32 $0x7, v3;
	v4 =	vand.u32 $0xFFFFFFF0, v60  }
0x3f: {  	v3 =	vor.u32 v3, v4  }
0x40: {  	v4 =	vperm.xlane v3, v0;
	_ =	sdelay $0x1  }
0x41: {  	v3 =	vperm.xlane v3, v2;
	v4 =	vadd.s32 v1, v4;
	_ =	sdelay $0x1  }
0x42: {  	v3 =	vadd.s32 v1, v3;
	_ =	sdelay $0x2  }
0x43: {  	[tilespmem:s16], [sflag:$0x1] =	stream.indirect_vreg.gather [hbm4b:s3+s2], $0x80, v4, vm0, $0xb8;
	[tilespmem:$0x8080] =	vst v63  }
0x44: {  	_ = 	snop  }
0x45: {  	[tilespmem:s17], [sflag:$0x1] =	stream.indirect_vreg.gather [hbm4b:s3+s2], $0x80, v3, vm0, $0xb8;
	[tilespmem:$0x8080] =	vst v63  }
0x46: {  	v3 =	vld [tilespmem:$0x50];
	_ =	sdelay $0x4  }
0x47: {  	v61 =	vshll.u32 v3, $0x1  }
0x48: {  	v3 =	vand.u32 $0x7, v3;
	v4 =	vand.u32 $0xFFFFFFF0, v61  }
0x49: {  	v3 =	vor.u32 v3, v4  }
0x4a: {  	v4 =	vperm.xlane v3, v0;
	_ =	sdelay $0x1  }
0x4b: {  	v3 =	vperm.xlane v3, v2;
	v4 =	vadd.s32 v1, v4;
	_ =	sdelay $0x1  }
0x4c: {  	v3 =	vadd.s32 v1, v3;
	_ =	sdelay $0x2  }
0x4d: {  	[tilespmem:s18], [sflag:$0x1] =	stream.indirect_vreg.gather [hbm4b:s3+s2], $0x80, v4, vm0, $0xb8;
	[tilespmem:$0x8080] =	vst v63  }
0x4e: {  	_ = 	snop  }
0x4f: {  	[tilespmem:s19], [sflag:$0x1] =	stream.indirect_vreg.gather [hbm4b:s3+s2], $0x80, v3, vm0, $0xb8;
	[tilespmem:$0x8080] =	vst v63  }
0x50: {  	v3 =	vld [tilespmem:$0x60];
	_ =	sdelay $0x4  }
0x51: {  	v62 =	vshll.u32 v3, $0x1  }
0x52: {  	v3 =	vand.u32 $0x7, v3;
	v4 =	vand.u32 $0xFFFFFFF0, v62  }
0x53: {  	v3 =	vor.u32 v3, v4  }
0x54: {  	v4 =	vperm.xlane v3, v0;
	_ =	sdelay $0x1  }
0x55: {  	v3 =	vperm.xlane v3, v2;
	v4 =	vadd.s32 v1, v4;
	_ =	sdelay $0x1  }
0x56: {  	v3 =	vadd.s32 v1, v3;
	_ =	sdelay $0x2  }
0x57: {  	[tilespmem:s20], [sflag:$0x1] =	stream.indirect_vreg.gather [hbm4b:s3+s2], $0x80, v4, vm0, $0xb8;
	[tilespmem:$0x8080] =	vst v63  }
0x58: {  	_ = 	snop  }
0x59: {  	[tilespmem:s21], [sflag:$0x1] =	stream.indirect_vreg.gather [hbm4b:s3+s2], $0x80, v3, vm0, $0xb8;
	[tilespmem:$0x8080] =	vst v63  }
0x5a: {  	v3 =	vld [tilespmem:$0x70];
	_ =	sdelay $0x4  }
0x5b: {  	v63 =	vshll.u32 v3, $0x1  }
0x5c: {  	v3 =	vand.u32 $0x7, v3;
	v4 =	vand.u32 $0xFFFFFFF0, v63  }
0x5d: {  	v3 =	vor.u32 v3, v4  }
0x5e: {  	v4 =	vperm.xlane v3, v0;
	_ =	sdelay $0x1  }
0x5f: {  	v3 =	vperm.xlane v3, v2;
	v4 =	vadd.s32 v1, v4;
	_ =	sdelay $0x1  }
0x60: {  	v3 =	vadd.s32 v1, v3;
	_ =	sdelay $0x2  }
0x61: {  	[tilespmem:s22], [sflag:$0x1] =	stream.indirect_vreg.gather [hbm4b:s3+s2], $0x80, v4, vm0, $0xb8;
	[tilespmem:$0x8080] =	vst v63  }
0x62: {  	_ = 	snop  }
0x63: {  	[tilespmem:s23], [sflag:$0x1] =	stream.indirect_vreg.gather [hbm4b:s3+s2], $0x80, v3, vm0, $0xb8;
	[tilespmem:$0x8080] =	vst v63  }
0x64: {  	_ =	swait.ge [sflag:s24], $0x8000  }
0x65: {  	p0 =	sne.s32 s6, $0x1;
	[sflag:s24] =	ssyncset.done $0x0  }
.Ltmp0:
0x66: {  	[sflag:s24] =	ssyncadd.s32 $0xFFFF8000;
	(pc) =	sbr.rel @p0 .LBB2_1-.Ltmp0, $4  }
0x67: {  	[hbm4b:s5+s2] =	stream.linear.scatter [tilespmem:s8], [sflag:$0x2], $0x8000, $0x38;
	[tilespmem:$0x8080] =	vst v63  }
0x68: {  	_ =	swait.ge [sflag:s25], $0x8000  }
0x69: {  	[sflag:s25] =	ssyncset.done $0x0  }
0x6a: {  	s6 =	sadd.s32 $0xFFFFFFFF, s6;
	[sflag:s25] =	ssyncadd.s32 $0xFFFF8000  }
0x6b: {  	_ =	sfence.sel $0x180000  }
0x6c: {  	[bflag:$0x0] =	sbarrier.arrive $0xFFFF  }
0x6d: {  	p0 =	sne.s32 s1, $0x0;
	_ =	strace $0x9000004D  }
0x6e: {  	s0 =	sadd.s32 @!p0 $0x100000, s0;
	[bflag:$0x2] =	sbarrier.arrive $0xFFFF  }
0x6f: {  	[sflag:s0] =	ssyncadd.tile.s32 @!p0 $0x1;
	_ =	shalt  }
.Lfunc_end2:
_tile_overlayer_lowered:
.L_overlay_start_2:
0x70: {  	(tag) =	ssettag $0x2  }
0x71: {  	s0 =	rddreg [dreg:$0x0];
	s2 =	stileid.u32  }
0x72: {  	s1 =	rddreg [dreg:$0x1];
	p0 =	sne.s32 s2, $0x0  }
0x73: {  	s3 =	rddreg [dreg:$0x2];
	[bflag:$0x3] =	sbarrier.arrive $0xFFFF;
	s2 =	simm.s32 @!p0 $0x1C03  }
0x74: {  	[timem:s3], [sflag:s2] =	dma.local @!p0 [hbm:s0], s1  }
0x75: {  	s0 =	simm.s32 @!p0 $0x3  }
0x76: {  	_ =	swait.ge @!p0 [sflag:s0], s1  }
0x77: {  	s1 =	ssub.s32 @!p0 $0x0, s1;
	[sflag:s0] =	ssyncset.done @!p0 $0x0  }
0x78: {  	[sflag:s0] =	ssyncadd.s32 @!p0 s1  }
0x79: {  	[bflag:$0x3] =	sbarrier.arrive $0xFFFF  }
0x7a: {  	_ =	shalt  }

</sc_bundles>
